<compile_context>
chip_gen: v7x
topology: tpu7x:2x2x1
jax: 0.10.2.dev20260603
libtpu: 0.0.44.dev20260713+nightly
codegen_flags: <defaults>
</compile_context>

<pallas_src>
import functools

import jax
import jax.numpy as jnp
from jax import lax
from jax.experimental import pallas as pl
from jax.experimental.pallas import tpu as pltpu
from jax.experimental.pallas import tpu_sc as plsc

N = 10000
E = 320000
IN = 128
H = 256
OUT = 128
L = 3
HH = H // 2

NC = 2
NS = 16

CHUNK = 128
EPT_RAW = E // NS
NCHUNK = -(-EPT_RAW // CHUNK)
EPT = NCHUNK * CHUNK
EPAD = NS * EPT
RPT = 632
AGG_ROWS = N + 8

BN = 1000


def _sc_mesh():
    return plsc.VectorSubcoreMesh(core_axis_name="c", subcore_axis_name="s")


@functools.partial(
    pl.kernel,
    out_type=jax.ShapeDtypeStruct((2, N, HH), jnp.float32),
    mesh=_sc_mesh(),
    scratch_types=[
        pltpu.VMEM((CHUNK,), jnp.int32),
        pltpu.VMEM((CHUNK,), jnp.int32),
        pltpu.VMEM((CHUNK, HH), jnp.float32),
        pltpu.VMEM_SHARED((AGG_ROWS, HH), jnp.float32),
        pltpu.SemaphoreType.DMA,
    ],
)
def _sc_segsum(hflat, hs, src2, dst, out, sidx, didx, rows, aggs, sem):
    c = lax.axis_index("c")
    s = lax.axis_index("s")
    r0 = pl.multiple_of(jnp.minimum(s * RPT, N - RPT), 8)

    pltpu.sync_copy(hs.at[c, pl.ds(r0, RPT)], aggs.at[pl.ds(r0, RPT)])
    plsc.subcore_barrier()

    base = s * EPT

    def body(i, carry):
        off = base + i * CHUNK
        pltpu.sync_copy(src2.at[c, pl.ds(off, CHUNK)], sidx)
        pltpu.sync_copy(dst.at[pl.ds(off, CHUNK)], didx)
        pltpu.async_copy(hflat.at[sidx], rows, sem).wait()
        pltpu.sync_copy(rows, aggs.at[didx], add=True)
        return carry

    lax.fori_loop(0, NCHUNK, body, 0)
    plsc.subcore_barrier()

    pltpu.sync_copy(aggs.at[pl.ds(r0, RPT)], out.at[c, pl.ds(r0, RPT)])


def _tc_init_body(x_ref, w_ref, b_ref, sc_ref, hg_ref, hs_ref):
    h = jnp.dot(x_ref[...], w_ref[...], preferred_element_type=jnp.float32)
    h = jnp.maximum(h + b_ref[...], 0.0)
    hg_ref[0] = h[:, :HH]
    hg_ref[1] = h[:, HH:]
    s = sc_ref[0]
    hs_ref[0] = s * h[:, :HH]
    hs_ref[1] = s * h[:, HH:]


def _tc_layer_body(m_ref, wa_ref, ba_ref, wb_ref, bb_ref, sc_ref, hg_ref, hs_ref):
    m = jnp.concatenate([m_ref[0], m_ref[1]], axis=1)
    t = jnp.dot(m, wa_ref[...], preferred_element_type=jnp.float32)
    t = jnp.maximum(t + ba_ref[...], 0.0)
    h = jnp.dot(t, wb_ref[...], preferred_element_type=jnp.float32)
    h = jnp.maximum(h + bb_ref[...], 0.0)
    hg_ref[0] = h[:, :HH]
    hg_ref[1] = h[:, HH:]
    s = sc_ref[0]
    hs_ref[0] = s * h[:, :HH]
    hs_ref[1] = s * h[:, HH:]


def _tc_last_body(m_ref, wa_ref, ba_ref, wb_ref, bb_ref, w1_ref, b1_ref, o_ref):
    m = jnp.concatenate([m_ref[0], m_ref[1]], axis=1)
    t = jnp.dot(m, wa_ref[...], preferred_element_type=jnp.float32)
    t = jnp.maximum(t + ba_ref[...], 0.0)
    h = jnp.dot(t, wb_ref[...], preferred_element_type=jnp.float32)
    h = jnp.maximum(h + bb_ref[...], 0.0)
    o_ref[...] = jnp.dot(h, w1_ref[...], preferred_element_type=jnp.float32) + b1_ref[...]


def _full_spec(shape):
    return pl.BlockSpec(shape, lambda i: (0,) * len(shape))


_SCALE_SPEC = pl.BlockSpec(memory_space=pltpu.SMEM)


_PAIR_SPEC = pl.BlockSpec((2, BN, HH), lambda i: (0, i, 0))
_GRID = N // BN


def _tc_init(x, w0, b0, scale):
    return pl.pallas_call(
        _tc_init_body,
        grid=(_GRID,),
        in_specs=[
            pl.BlockSpec((BN, IN), lambda i: (i, 0)),
            _full_spec((IN, H)),
            _full_spec((1, H)),
            _SCALE_SPEC,
        ],
        out_specs=[_PAIR_SPEC, _PAIR_SPEC],
        out_shape=[
            jax.ShapeDtypeStruct((2, N, HH), jnp.float32),
            jax.ShapeDtypeStruct((2, N, HH), jnp.float32),
        ],
    )(x, w0, b0.reshape(1, H), scale)


def _tc_layer(m2, wa, ba, wb, bb, scale):
    return pl.pallas_call(
        _tc_layer_body,
        grid=(_GRID,),
        in_specs=[
            _PAIR_SPEC,
            _full_spec((H, H)),
            _full_spec((1, H)),
            _full_spec((H, H)),
            _full_spec((1, H)),
            _SCALE_SPEC,
        ],
        out_specs=[_PAIR_SPEC, _PAIR_SPEC],
        out_shape=[
            jax.ShapeDtypeStruct((2, N, HH), jnp.float32),
            jax.ShapeDtypeStruct((2, N, HH), jnp.float32),
        ],
    )(m2, wa, ba, wb, bb, scale)


def _tc_last(m2, wa, ba, wb, bb, w1, b1):
    return pl.pallas_call(
        _tc_last_body,
        grid=(_GRID,),
        in_specs=[
            _PAIR_SPEC,
            _full_spec((H, H)),
            _full_spec((1, H)),
            _full_spec((H, H)),
            _full_spec((1, H)),
            _full_spec((H, OUT)),
            _full_spec((1, OUT)),
        ],
        out_specs=pl.BlockSpec((BN, OUT), lambda i: (i, 0)),
        out_shape=jax.ShapeDtypeStruct((N, OUT), jnp.float32),
    )(m2, wa, ba, wb, bb, w1, b1.reshape(1, OUT))


def kernel(x, edge_index, W0, b0, W1, b1, eps, Wa, ba, g1, be1, Wb, bb, g2, be2):
    src = edge_index[0].reshape(NS, EPT_RAW)
    dstr = edge_index[1].reshape(NS, EPT_RAW)
    pad = EPT - EPT_RAW
    src_p = jnp.pad(src, ((0, 0), (0, pad))).reshape(-1)
    dst_p = jnp.pad(dstr, ((0, 0), (0, pad)), constant_values=N).reshape(-1)
    src2 = jnp.stack([src_p, src_p + N])

    kbn = 1.0 / jnp.sqrt(jnp.float32(1.0 + 1e-5))
    a1 = g1 * kbn
    a2 = g2 * kbn
    wa_f = Wa * a1[:, None, :]
    ba_f = (ba * a1 + be1).reshape(L, 1, H)
    wb_f = Wb * a2[:, None, :]
    bb_f = (bb * a2 + be2).reshape(L, 1, H)
    scales = (1.0 + eps).astype(jnp.float32)

    hg, hs = _tc_init(x, W0, b0, scales[0:1])
    for i in range(L):
        m2 = _sc_segsum(hg.reshape(2 * N, HH), hs, src2, dst_p)
        if i < L - 1:
            hg, hs = _tc_layer(m2, wa_f[i], ba_f[i], wb_f[i], bb_f[i],
                               scales[i + 1:i + 2])
        else:
            return _tc_last(m2, wa_f[i], ba_f[i], wb_f[i], bb_f[i], W1, b1)

# --- scband reference (transcript-rebuilt; emitter-appended) ---
"""Pipeline reference for scband-gin2-53197464928926 (READ-ONLY COPY).

The authoritative reference and input builder live on the scoring server;
editing this copy changes nothing except your own understanding.
"""

import jax, jax.numpy as jnp
import numpy as np

N = 10000
E = 320000
IN = 128
H = 256
OUT = 128
L = 3


def setup_inputs(seed: int = 0) -> dict:
    key = jax.random.key(seed)
    ks = jax.random.split(key, 16)
    x = jax.random.normal(ks[0], (N, IN), dtype=jnp.float32)
    edge_index = jax.random.randint(ks[1], (2, E), 0, N, dtype=jnp.int32)
    s0 = 1.0 / np.sqrt(IN)
    sh = 1.0 / np.sqrt(H)
    W0 = jax.random.uniform(ks[2], (IN, H), jnp.float32, -s0, s0)
    b0 = jax.random.uniform(ks[3], (H,), jnp.float32, -s0, s0)
    W1 = jax.random.uniform(ks[4], (H, OUT), jnp.float32, -sh, sh)
    b1 = jax.random.uniform(ks[5], (OUT,), jnp.float32, -sh, sh)
    eps = jnp.zeros((L,), jnp.float32)  # GINConv train_eps init 0
    Wa = jax.random.uniform(ks[6], (L, H, H), jnp.float32, -sh, sh)
    ba = jax.random.uniform(ks[7], (L, H), jnp.float32, -sh, sh)
    g1 = jnp.ones((L, H), jnp.float32)
    be1 = jnp.zeros((L, H), jnp.float32)
    Wb = jax.random.uniform(ks[8], (L, H, H), jnp.float32, -sh, sh)
    bb = jax.random.uniform(ks[9], (L, H), jnp.float32, -sh, sh)
    g2 = jnp.ones((L, H), jnp.float32)
    be2 = jnp.zeros((L, H), jnp.float32)
    return {"x": x, "edge_index": edge_index, "W0": W0, "b0": b0, "W1": W1,
            "b1": b1, "eps": eps, "Wa": Wa, "ba": ba, "g1": g1, "be1": be1,
            "Wb": Wb, "bb": bb, "g2": g2, "be2": be2}


def _bn_eval(v, gamma, beta):
    # BatchNorm1d in eval mode with running_mean=0, running_var=1
    return gamma * v * (1.0 / jnp.sqrt(1.0 + 1e-5)) + beta


def reference(x, edge_index, W0, b0, W1, b1, eps, Wa, ba, g1, be1, Wb, bb, g2, be2):
    src = edge_index[0]
    dst = edge_index[1]
    h = jnp.maximum(x @ W0 + b0, 0.0)
    # dropout p=0.5 is identity in eval mode
    for i in range(L):
        # GINConv: mlp((1+eps) * x + sum_{j in N(i)} x_j)
        agg = jax.ops.segment_sum(h[src], dst, num_segments=N)
        m = (1.0 + eps[i]) * h + agg
        m = m @ Wa[i] + ba[i]
        m = _bn_eval(m, g1[i], be1[i])
        m = jnp.maximum(m, 0.0)
        m = m @ Wb[i] + bb[i]
        # outer BatchNorm then ReLU
        h = jnp.maximum(_bn_eval(m, g2[i], be2[i]), 0.0)
    return h @ W1 + b1

if __name__ == "__main__":
    import jax
    _d = setup_inputs()
    print(jax.jit(kernel)(*tuple(_d.values())))

</pallas_src>

<mosaic_0001>
#map = affine_map<(d0, d1) -> (0, 0)>
#map1 = affine_map<(d0, d1) -> (0, 0, 0)>
#map2 = affine_map<(d0, d1) -> (0)>
module attributes {stable_mosaic.version = 14 : i64} {
  func.func @_sc_segsum(%arg0: i32, %arg1: i32, %arg2: memref<20000x128xf32, #tpu.memory_space<hbm>>, %arg3: memref<2x10000x128xf32, #tpu.memory_space<hbm>>, %arg4: memref<2x321536xi32, #tpu.memory_space<hbm>>, %arg5: memref<321536xi32, #tpu.memory_space<hbm>>, %arg6: memref<2x10000x128xf32, #tpu.memory_space<hbm>>, %arg7: memref<128xi32, #tpu.memory_space<vmem>>, %arg8: memref<128xi32, #tpu.memory_space<vmem>>, %arg9: memref<128x128xf32, #tpu.memory_space<vmem>>, %arg10: memref<10008x128xf32, #tpu.memory_space<vmem_shared>>, %arg11: memref<!tpu.dma_semaphore, #tpu.memory_space<semaphore_mem>>) attributes {dimension_semantics = [#tpu.dimension_semantics<core_parallel>, #tpu.dimension_semantics<subcore_parallel>], iteration_bounds = array<i64: 2, 16>, scalar_prefetch = 0 : i64, scratch_operands = 5 : i64, tpu.core_type = #tpu.core_type<sc_vector_subcore>, window_params = [{transform_indices = #map}, {transform_indices = #map1}, {transform_indices = #map}, {transform_indices = #map2}, {transform_indices = #map1}]} {
    %mul3A = arith.constant 632 : i32
    %mul3A_0 = arith.muli %arg1, %mul3A : i32
    %min3A = arith.constant 9368 : i32
    %min3A_1 = arith.minsi %mul3A_0, %min3A : i32
    %multiple_of3A = tpu.assume_multiple %min3A_1, 8 : i32
    "tpu.region"() ({
      %run_scoped3A = tpu.sem_alloc : memref<!tpu.dma_semaphore, #tpu.memory_space<semaphore_mem>>
      %dma_start3A = arith.constant 0 : i32
      %dma_start3A_10 = tpu.memref_slice %arg10[%multiple_of3A, %dma_start3A] : memref<10008x128xf32, #tpu.memory_space<vmem_shared>> -> memref<632x128xf32, #tpu.memory_space<vmem_shared>>
      %dma_start3A_11 = arith.constant 0 : i32
      %dma_start3A_12 = tpu.memref_slice %arg3[%arg0, %multiple_of3A, %dma_start3A_11] : memref<2x10000x128xf32, #tpu.memory_space<hbm>> -> memref<1x632x128xf32, #tpu.memory_space<hbm>>
      %dma_start3A_13 = tpu.memref_squeeze %dma_start3A_12 : memref<1x632x128xf32, #tpu.memory_space<hbm>> -> memref<632x128xf32, #tpu.memory_space<hbm>>
      tpu.enqueue_dma source(%dma_start3A_13 : memref<632x128xf32, #tpu.memory_space<hbm>>) target(%dma_start3A_10 : memref<632x128xf32, #tpu.memory_space<vmem_shared>>) target_semaphore(%run_scoped3A : memref<!tpu.dma_semaphore, #tpu.memory_space<semaphore_mem>>)
      %dma_wait3A = arith.constant 0 : i32
      %dma_wait3A_14 = tpu.memref_slice %arg10[%multiple_of3A, %dma_wait3A] : memref<10008x128xf32, #tpu.memory_space<vmem_shared>> -> memref<632x128xf32, #tpu.memory_space<vmem_shared>>
      %dma_wait3A_15 = arith.constant 0 : i32
      %dma_wait3A_16 = tpu.memref_slice %arg3[%arg0, %multiple_of3A, %dma_wait3A_15] : memref<2x10000x128xf32, #tpu.memory_space<hbm>> -> memref<1x632x128xf32, #tpu.memory_space<hbm>>
      %dma_wait3A_17 = tpu.memref_squeeze %dma_wait3A_16 : memref<1x632x128xf32, #tpu.memory_space<hbm>> -> memref<632x128xf32, #tpu.memory_space<hbm>>
      tpu.wait_dma2 semaphore(%run_scoped3A : memref<!tpu.dma_semaphore, #tpu.memory_space<semaphore_mem>>) src(%dma_wait3A_17 : memref<632x128xf32, #tpu.memory_space<hbm>>) dst(%dma_wait3A_14 : memref<632x128xf32, #tpu.memory_space<vmem_shared>>)
      tpu.yield
    }) : () -> ()
    %barrier3A = arith.constant 0 : index
    tpu.barrier barrier_id(%barrier3A)
    %mul3A_2 = arith.constant 20096 : i32
    %mul3A_3 = arith.muli %arg1, %mul3A_2 : i32
    %scan3A = arith.constant 0 : i32
    %scan3A_4 = arith.constant 0 : i32
    %scan3A_5 = arith.constant 157 : i32
    %scan3A_6 = arith.addi %scan3A_4, %scan3A_5 : i32
    %scan3A_7 = arith.constant 1 : i32
    scf.for %scan3A_10 = %scan3A_4 to %scan3A_6 step %scan3A_7  : i32 {
      %mul3A_11 = arith.constant 128 : i32
      %mul3A_12 = arith.muli %scan3A_10, %mul3A_11 : i32
      %add3A = arith.addi %mul3A_3, %mul3A_12 : i32
      "tpu.region"() ({
        %run_scoped3A = tpu.sem_alloc : memref<!tpu.dma_semaphore, #tpu.memory_space<semaphore_mem>>
        %dma_start3A_17 = tpu.memref_slice %arg4[%arg0, %add3A] : memref<2x321536xi32, #tpu.memory_space<hbm>> -> memref<1x128xi32, #tpu.memory_space<hbm>>
        %dma_start3A_18 = tpu.memref_squeeze %dma_start3A_17 : memref<1x128xi32, #tpu.memory_space<hbm>> -> memref<128xi32, #tpu.memory_space<hbm>>
        %dma_start3A_19 = tpu.memref_slice %arg4[%arg0, %add3A] : memref<2x321536xi32, #tpu.memory_space<hbm>> -> memref<1x128xi32, #tpu.memory_space<hbm>>
        %dma_start3A_20 = tpu.memref_squeeze %dma_start3A_19 : memref<1x128xi32, #tpu.memory_space<hbm>> -> memref<128xi32, #tpu.memory_space<hbm>>
        tpu.enqueue_dma source(%dma_start3A_20 : memref<128xi32, #tpu.memory_space<hbm>>) target(%arg7 : memref<128xi32, #tpu.memory_space<vmem>>) target_semaphore(%run_scoped3A : memref<!tpu.dma_semaphore, #tpu.memory_space<semaphore_mem>>)
        %dma_wait3A_21 = tpu.memref_slice %arg4[%arg0, %add3A] : memref<2x321536xi32, #tpu.memory_space<hbm>> -> memref<1x128xi32, #tpu.memory_space<hbm>>
        %dma_wait3A_22 = tpu.memref_squeeze %dma_wait3A_21 : memref<1x128xi32, #tpu.memory_space<hbm>> -> memref<128xi32, #tpu.memory_space<hbm>>
        %dma_wait3A_23 = tpu.memref_slice %arg4[%arg0, %add3A] : memref<2x321536xi32, #tpu.memory_space<hbm>> -> memref<1x128xi32, #tpu.memory_space<hbm>>
        %dma_wait3A_24 = tpu.memref_squeeze %dma_wait3A_23 : memref<1x128xi32, #tpu.memory_space<hbm>> -> memref<128xi32, #tpu.memory_space<hbm>>
        tpu.wait_dma2 semaphore(%run_scoped3A : memref<!tpu.dma_semaphore, #tpu.memory_space<semaphore_mem>>) src(%dma_wait3A_24 : memref<128xi32, #tpu.memory_space<hbm>>) dst(%arg7 : memref<128xi32, #tpu.memory_space<vmem>>)
        tpu.yield
      }) : () -> ()
      "tpu.region"() ({
        %run_scoped3A = tpu.sem_alloc : memref<!tpu.dma_semaphore, #tpu.memory_space<semaphore_mem>>
        %dma_start3A_17 = tpu.memref_slice %arg5[%add3A] : memref<321536xi32, #tpu.memory_space<hbm>> -> memref<128xi32, #tpu.memory_space<hbm>>
        %dma_start3A_18 = tpu.memref_slice %arg5[%add3A] : memref<321536xi32, #tpu.memory_space<hbm>> -> memref<128xi32, #tpu.memory_space<hbm>>
        tpu.enqueue_dma source(%dma_start3A_18 : memref<128xi32, #tpu.memory_space<hbm>>) target(%arg8 : memref<128xi32, #tpu.memory_space<vmem>>) target_semaphore(%run_scoped3A : memref<!tpu.dma_semaphore, #tpu.memory_space<semaphore_mem>>)
        %dma_wait3A_19 = tpu.memref_slice %arg5[%add3A] : memref<321536xi32, #tpu.memory_space<hbm>> -> memref<128xi32, #tpu.memory_space<hbm>>
        %dma_wait3A_20 = tpu.memref_slice %arg5[%add3A] : memref<321536xi32, #tpu.memory_space<hbm>> -> memref<128xi32, #tpu.memory_space<hbm>>
        tpu.wait_dma2 semaphore(%run_scoped3A : memref<!tpu.dma_semaphore, #tpu.memory_space<semaphore_mem>>) src(%dma_wait3A_20 : memref<128xi32, #tpu.memory_space<hbm>>) dst(%arg8 : memref<128xi32, #tpu.memory_space<vmem>>)
        tpu.yield
      }) : () -> ()
      %dma_start3A = arith.constant 0 : i32
      %dma_start3A_13 = arith.constant 0 : i32
      %dma_start3A_14 = tpu.memref_slice %arg2[%dma_start3A, %dma_start3A_13] : memref<20000x128xf32, #tpu.memory_space<hbm>> -> memref<20000x128xf32, #tpu.memory_space<hbm>>
      tpu.enqueue_indirect_dma source(%dma_start3A_14 : memref<20000x128xf32, #tpu.memory_space<hbm>>) target(%arg9 : memref<128x128xf32, #tpu.memory_space<vmem>>) offsets(%arg7 : memref<128xi32, #tpu.memory_space<vmem>>) semaphore(%arg11 : memref<!tpu.dma_semaphore, #tpu.memory_space<semaphore_mem>>)
      %dma_wait3A = arith.constant 0 : i32
      %dma_wait3A_15 = arith.constant 0 : i32
      %dma_wait3A_16 = tpu.memref_slice %arg2[%dma_wait3A, %dma_wait3A_15] : memref<20000x128xf32, #tpu.memory_space<hbm>> -> memref<20000x128xf32, #tpu.memory_space<hbm>>
      tpu.wait_indirect_dma semaphore(%arg11 : memref<!tpu.dma_semaphore, #tpu.memory_space<semaphore_mem>>) src(%dma_wait3A_16 : memref<20000x128xf32, #tpu.memory_space<hbm>>) dst(%arg9 : memref<128x128xf32, #tpu.memory_space<vmem>>)
      "tpu.region"() ({
        %run_scoped3A = tpu.sem_alloc : memref<!tpu.dma_semaphore, #tpu.memory_space<semaphore_mem>>
        %dma_start3A_17 = arith.constant 0 : i32
        %dma_start3A_18 = arith.constant 0 : i32
        %dma_start3A_19 = tpu.memref_slice %arg10[%dma_start3A_17, %dma_start3A_18] : memref<10008x128xf32, #tpu.memory_space<vmem_shared>> -> memref<10008x128xf32, #tpu.memory_space<vmem_shared>>
        tpu.enqueue_indirect_dma source(%arg9 : memref<128x128xf32, #tpu.memory_space<vmem>>) target(%dma_start3A_19 : memref<10008x128xf32, #tpu.memory_space<vmem_shared>>) offsets(%arg8 : memref<128xi32, #tpu.memory_space<vmem>>) semaphore(%run_scoped3A : memref<!tpu.dma_semaphore, #tpu.memory_space<semaphore_mem>>) {add = true}
        %dma_wait3A_20 = arith.constant 0 : i32
        %dma_wait3A_21 = arith.constant 0 : i32
        %dma_wait3A_22 = tpu.memref_slice %arg10[%dma_wait3A_20, %dma_wait3A_21] : memref<10008x128xf32, #tpu.memory_space<vmem_shared>> -> memref<10008x128xf32, #tpu.memory_space<vmem_shared>>
        tpu.wait_indirect_dma semaphore(%run_scoped3A : memref<!tpu.dma_semaphore, #tpu.memory_space<semaphore_mem>>) src(%arg9 : memref<128x128xf32, #tpu.memory_space<vmem>>) dst(%dma_wait3A_22 : memref<10008x128xf32, #tpu.memory_space<vmem_shared>>)
        tpu.yield
      }) : () -> ()
    }
    %scan3A_8 = arith.constant 157 : i32
    %barrier3A_9 = arith.constant 0 : index
    tpu.barrier barrier_id(%barrier3A_9)
    "tpu.region"() ({
      %run_scoped3A = tpu.sem_alloc : memref<!tpu.dma_semaphore, #tpu.memory_space<semaphore_mem>>
      %dma_start3A = arith.constant 0 : i32
      %dma_start3A_10 = tpu.memref_slice %arg6[%arg0, %multiple_of3A, %dma_start3A] : memref<2x10000x128xf32, #tpu.memory_space<hbm>> -> memref<1x632x128xf32, #tpu.memory_space<hbm>>
      %dma_start3A_11 = tpu.memref_squeeze %dma_start3A_10 : memref<1x632x128xf32, #tpu.memory_space<hbm>> -> memref<632x128xf32, #tpu.memory_space<hbm>>
      %dma_start3A_12 = arith.constant 0 : i32
      %dma_start3A_13 = tpu.memref_slice %arg10[%multiple_of3A, %dma_start3A_12] : memref<10008x128xf32, #tpu.memory_space<vmem_shared>> -> memref<632x128xf32, #tpu.memory_space<vmem_shared>>
      tpu.enqueue_dma source(%dma_start3A_13 : memref<632x128xf32, #tpu.memory_space<vmem_shared>>) target(%dma_start3A_11 : memref<632x128xf32, #tpu.memory_space<hbm>>) target_semaphore(%run_scoped3A : memref<!tpu.dma_semaphore, #tpu.memory_space<semaphore_mem>>)
      %dma_wait3A = arith.constant 0 : i32
      %dma_wait3A_14 = tpu.memref_slice %arg6[%arg0, %multiple_of3A, %dma_wait3A] : memref<2x10000x128xf32, #tpu.memory_space<hbm>> -> memref<1x632x128xf32, #tpu.memory_space<hbm>>
      %dma_wait3A_15 = tpu.memref_squeeze %dma_wait3A_14 : memref<1x632x128xf32, #tpu.memory_space<hbm>> -> memref<632x128xf32, #tpu.memory_space<hbm>>
      %dma_wait3A_16 = arith.constant 0 : i32
      %dma_wait3A_17 = tpu.memref_slice %arg10[%multiple_of3A, %dma_wait3A_16] : memref<10008x128xf32, #tpu.memory_space<vmem_shared>> -> memref<632x128xf32, #tpu.memory_space<vmem_shared>>
      tpu.wait_dma2 semaphore(%run_scoped3A : memref<!tpu.dma_semaphore, #tpu.memory_space<semaphore_mem>>) src(%dma_wait3A_17 : memref<632x128xf32, #tpu.memory_space<vmem_shared>>) dst(%dma_wait3A_15 : memref<632x128xf32, #tpu.memory_space<hbm>>)
      tpu.yield
    }) : () -> ()
    return
  }
}

#map = affine_map<(d0, d1) -> (0, 0)>
#map1 = affine_map<(d0, d1) -> (0, 0, 0)>
#map2 = affine_map<(d0, d1) -> (0)>
module attributes {stable_mosaic.version = 14 : i64} {
  func.func @_sc_segsum(%arg0: i32, %arg1: i32, %arg2: memref<20000x128xf32, #tpu.memory_space<hbm>>, %arg3: memref<2x10000x128xf32, #tpu.memory_space<hbm>>, %arg4: memref<2x321536xi32, #tpu.memory_space<hbm>>, %arg5: memref<321536xi32, #tpu.memory_space<hbm>>, %arg6: memref<2x10000x128xf32, #tpu.memory_space<hbm>>, %arg7: memref<128xi32, #tpu.memory_space<vmem>>, %arg8: memref<128xi32, #tpu.memory_space<vmem>>, %arg9: memref<128x128xf32, #tpu.memory_space<vmem>>, %arg10: memref<10008x128xf32, #tpu.memory_space<vmem_shared>>, %arg11: memref<!tpu.dma_semaphore, #tpu.memory_space<semaphore_mem>>) attributes {dimension_semantics = [#tpu.dimension_semantics<core_parallel>, #tpu.dimension_semantics<subcore_parallel>], iteration_bounds = array<i64: 2, 16>, scalar_prefetch = 0 : i64, scratch_operands = 5 : i64, tpu.core_type = #tpu.core_type<sc_vector_subcore>, window_params = [{transform_indices = #map}, {transform_indices = #map1}, {transform_indices = #map}, {transform_indices = #map2}, {transform_indices = #map1}]} {
    %mul3A = arith.constant 632 : i32
    %mul3A_0 = arith.muli %arg1, %mul3A : i32
    %min3A = arith.constant 9368 : i32
    %min3A_1 = arith.minsi %mul3A_0, %min3A : i32
    %multiple_of3A = tpu.assume_multiple %min3A_1, 8 : i32
    "tpu.region"() ({
      %run_scoped3A = tpu.sem_alloc : memref<!tpu.dma_semaphore, #tpu.memory_space<semaphore_mem>>
      %dma_start3A = arith.constant 0 : i32
      %dma_start3A_10 = tpu.memref_slice %arg10[%multiple_of3A, %dma_start3A] : memref<10008x128xf32, #tpu.memory_space<vmem_shared>> -> memref<632x128xf32, #tpu.memory_space<vmem_shared>>
      %dma_start3A_11 = arith.constant 0 : i32
      %dma_start3A_12 = tpu.memref_slice %arg3[%arg0, %multiple_of3A, %dma_start3A_11] : memref<2x10000x128xf32, #tpu.memory_space<hbm>> -> memref<1x632x128xf32, #tpu.memory_space<hbm>>
      %dma_start3A_13 = tpu.memref_squeeze %dma_start3A_12 : memref<1x632x128xf32, #tpu.memory_space<hbm>> -> memref<632x128xf32, #tpu.memory_space<hbm>>
      tpu.enqueue_dma source(%dma_start3A_13 : memref<632x128xf32, #tpu.memory_space<hbm>>) target(%dma_start3A_10 : memref<632x128xf32, #tpu.memory_space<vmem_shared>>) target_semaphore(%run_scoped3A : memref<!tpu.dma_semaphore, #tpu.memory_space<semaphore_mem>>)
      %dma_wait3A = arith.constant 0 : i32
      %dma_wait3A_14 = tpu.memref_slice %arg10[%multiple_of3A, %dma_wait3A] : memref<10008x128xf32, #tpu.memory_space<vmem_shared>> -> memref<632x128xf32, #tpu.memory_space<vmem_shared>>
      %dma_wait3A_15 = arith.constant 0 : i32
      %dma_wait3A_16 = tpu.memref_slice %arg3[%arg0, %multiple_of3A, %dma_wait3A_15] : memref<2x10000x128xf32, #tpu.memory_space<hbm>> -> memref<1x632x128xf32, #tpu.memory_space<hbm>>
      %dma_wait3A_17 = tpu.memref_squeeze %dma_wait3A_16 : memref<1x632x128xf32, #tpu.memory_space<hbm>> -> memref<632x128xf32, #tpu.memory_space<hbm>>
      tpu.wait_dma2 semaphore(%run_scoped3A : memref<!tpu.dma_semaphore, #tpu.memory_space<semaphore_mem>>) src(%dma_wait3A_17 : memref<632x128xf32, #tpu.memory_space<hbm>>) dst(%dma_wait3A_14 : memref<632x128xf32, #tpu.memory_space<vmem_shared>>)
      tpu.yield
    }) : () -> ()
    %barrier3A = arith.constant 0 : index
    tpu.barrier barrier_id(%barrier3A)
    %mul3A_2 = arith.constant 20096 : i32
    %mul3A_3 = arith.muli %arg1, %mul3A_2 : i32
    %scan3A = arith.constant 0 : i32
    %scan3A_4 = arith.constant 0 : i32
    %scan3A_5 = arith.constant 157 : i32
    %scan3A_6 = arith.addi %scan3A_4, %scan3A_5 : i32
    %scan3A_7 = arith.constant 1 : i32
    scf.for %scan3A_10 = %scan3A_4 to %scan3A_6 step %scan3A_7  : i32 {
      %mul3A_11 = arith.constant 128 : i32
      %mul3A_12 = arith.muli %scan3A_10, %mul3A_11 : i32
      %add3A = arith.addi %mul3A_3, %mul3A_12 : i32
      "tpu.region"() ({
        %run_scoped3A = tpu.sem_alloc : memref<!tpu.dma_semaphore, #tpu.memory_space<semaphore_mem>>
        %dma_start3A_17 = tpu.memref_slice %arg4[%arg0, %add3A] : memref<2x321536xi32, #tpu.memory_space<hbm>> -> memref<1x128xi32, #tpu.memory_space<hbm>>
        %dma_start3A_18 = tpu.memref_squeeze %dma_start3A_17 : memref<1x128xi32, #tpu.memory_space<hbm>> -> memref<128xi32, #tpu.memory_space<hbm>>
        %dma_start3A_19 = tpu.memref_slice %arg4[%arg0, %add3A] : memref<2x321536xi32, #tpu.memory_space<hbm>> -> memref<1x128xi32, #tpu.memory_space<hbm>>
        %dma_start3A_20 = tpu.memref_squeeze %dma_start3A_19 : memref<1x128xi32, #tpu.memory_space<hbm>> -> memref<128xi32, #tpu.memory_space<hbm>>
        tpu.enqueue_dma source(%dma_start3A_20 : memref<128xi32, #tpu.memory_space<hbm>>) target(%arg7 : memref<128xi32, #tpu.memory_space<vmem>>) target_semaphore(%run_scoped3A : memref<!tpu.dma_semaphore, #tpu.memory_space<semaphore_mem>>)
        %dma_wait3A_21 = tpu.memref_slice %arg4[%arg0, %add3A] : memref<2x321536xi32, #tpu.memory_space<hbm>> -> memref<1x128xi32, #tpu.memory_space<hbm>>
        %dma_wait3A_22 = tpu.memref_squeeze %dma_wait3A_21 : memref<1x128xi32, #tpu.memory_space<hbm>> -> memref<128xi32, #tpu.memory_space<hbm>>
        %dma_wait3A_23 = tpu.memref_slice %arg4[%arg0, %add3A] : memref<2x321536xi32, #tpu.memory_space<hbm>> -> memref<1x128xi32, #tpu.memory_space<hbm>>
        %dma_wait3A_24 = tpu.memref_squeeze %dma_wait3A_23 : memref<1x128xi32, #tpu.memory_space<hbm>> -> memref<128xi32, #tpu.memory_space<hbm>>
        tpu.wait_dma2 semaphore(%run_scoped3A : memref<!tpu.dma_semaphore, #tpu.memory_space<semaphore_mem>>) src(%dma_wait3A_24 : memref<128xi32, #tpu.memory_space<hbm>>) dst(%arg7 : memref<128xi32, #tpu.memory_space<vmem>>)
        tpu.yield
      }) : () -> ()
      "tpu.region"() ({
        %run_scoped3A = tpu.sem_alloc : memref<!tpu.dma_semaphore, #tpu.memory_space<semaphore_mem>>
        %dma_start3A_17 = tpu.memref_slice %arg5[%add3A] : memref<321536xi32, #tpu.memory_space<hbm>> -> memref<128xi32, #tpu.memory_space<hbm>>
        %dma_start3A_18 = tpu.memref_slice %arg5[%add3A] : memref<321536xi32, #tpu.memory_space<hbm>> -> memref<128xi32, #tpu.memory_space<hbm>>
        tpu.enqueue_dma source(%dma_start3A_18 : memref<128xi32, #tpu.memory_space<hbm>>) target(%arg8 : memref<128xi32, #tpu.memory_space<vmem>>) target_semaphore(%run_scoped3A : memref<!tpu.dma_semaphore, #tpu.memory_space<semaphore_mem>>)
        %dma_wait3A_19 = tpu.memref_slice %arg5[%add3A] : memref<321536xi32, #tpu.memory_space<hbm>> -> memref<128xi32, #tpu.memory_space<hbm>>
        %dma_wait3A_20 = tpu.memref_slice %arg5[%add3A] : memref<321536xi32, #tpu.memory_space<hbm>> -> memref<128xi32, #tpu.memory_space<hbm>>
        tpu.wait_dma2 semaphore(%run_scoped3A : memref<!tpu.dma_semaphore, #tpu.memory_space<semaphore_mem>>) src(%dma_wait3A_20 : memref<128xi32, #tpu.memory_space<hbm>>) dst(%arg8 : memref<128xi32, #tpu.memory_space<vmem>>)
        tpu.yield
      }) : () -> ()
      %dma_start3A = arith.constant 0 : i32
      %dma_start3A_13 = arith.constant 0 : i32
      %dma_start3A_14 = tpu.memref_slice %arg2[%dma_start3A, %dma_start3A_13] : memref<20000x128xf32, #tpu.memory_space<hbm>> -> memref<20000x128xf32, #tpu.memory_space<hbm>>
      tpu.enqueue_indirect_dma source(%dma_start3A_14 : memref<20000x128xf32, #tpu.memory_space<hbm>>) target(%arg9 : memref<128x128xf32, #tpu.memory_space<vmem>>) offsets(%arg7 : memref<128xi32, #tpu.memory_space<vmem>>) semaphore(%arg11 : memref<!tpu.dma_semaphore, #tpu.memory_space<semaphore_mem>>)
      %dma_wait3A = arith.constant 0 : i32
      %dma_wait3A_15 = arith.constant 0 : i32
      %dma_wait3A_16 = tpu.memref_slice %arg2[%dma_wait3A, %dma_wait3A_15] : memref<20000x128xf32, #tpu.memory_space<hbm>> -> memref<20000x128xf32, #tpu.memory_space<hbm>>
      tpu.wait_indirect_dma semaphore(%arg11 : memref<!tpu.dma_semaphore, #tpu.memory_space<semaphore_mem>>) src(%dma_wait3A_16 : memref<20000x128xf32, #tpu.memory_space<hbm>>) dst(%arg9 : memref<128x128xf32, #tpu.memory_space<vmem>>)
      "tpu.region"() ({
        %run_scoped3A = tpu.sem_alloc : memref<!tpu.dma_semaphore, #tpu.memory_space<semaphore_mem>>
        %dma_start3A_17 = arith.constant 0 : i32
        %dma_start3A_18 = arith.constant 0 : i32
        %dma_start3A_19 = tpu.memref_slice %arg10[%dma_start3A_17, %dma_start3A_18] : memref<10008x128xf32, #tpu.memory_space<vmem_shared>> -> memref<10008x128xf32, #tpu.memory_space<vmem_shared>>
        tpu.enqueue_indirect_dma source(%arg9 : memref<128x128xf32, #tpu.memory_space<vmem>>) target(%dma_start3A_19 : memref<10008x128xf32, #tpu.memory_space<vmem_shared>>) offsets(%arg8 : memref<128xi32, #tpu.memory_space<vmem>>) semaphore(%run_scoped3A : memref<!tpu.dma_semaphore, #tpu.memory_space<semaphore_mem>>) {add = true}
        %dma_wait3A_20 = arith.constant 0 : i32
        %dma_wait3A_21 = arith.constant 0 : i32
        %dma_wait3A_22 = tpu.memref_slice %arg10[%dma_wait3A_20, %dma_wait3A_21] : memref<10008x128xf32, #tpu.memory_space<vmem_shared>> -> memref<10008x128xf32, #tpu.memory_space<vmem_shared>>
        tpu.wait_indirect_dma semaphore(%run_scoped3A : memref<!tpu.dma_semaphore, #tpu.memory_space<semaphore_mem>>) src(%arg9 : memref<128x128xf32, #tpu.memory_space<vmem>>) dst(%dma_wait3A_22 : memref<10008x128xf32, #tpu.memory_space<vmem_shared>>)
        tpu.yield
      }) : () -> ()
    }
    %scan3A_8 = arith.constant 157 : i32
    %barrier3A_9 = arith.constant 0 : index
    tpu.barrier barrier_id(%barrier3A_9)
    "tpu.region"() ({
      %run_scoped3A = tpu.sem_alloc : memref<!tpu.dma_semaphore, #tpu.memory_space<semaphore_mem>>
      %dma_start3A = arith.constant 0 : i32
      %dma_start3A_10 = tpu.memref_slice %arg6[%arg0, %multiple_of3A, %dma_start3A] : memref<2x10000x128xf32, #tpu.memory_space<hbm>> -> memref<1x632x128xf32, #tpu.memory_space<hbm>>
      %dma_start3A_11 = tpu.memref_squeeze %dma_start3A_10 : memref<1x632x128xf32, #tpu.memory_space<hbm>> -> memref<632x128xf32, #tpu.memory_space<hbm>>
      %dma_start3A_12 = arith.constant 0 : i32
      %dma_start3A_13 = tpu.memref_slice %arg10[%multiple_of3A, %dma_start3A_12] : memref<10008x128xf32, #tpu.memory_space<vmem_shared>> -> memref<632x128xf32, #tpu.memory_space<vmem_shared>>
      tpu.enqueue_dma source(%dma_start3A_13 : memref<632x128xf32, #tpu.memory_space<vmem_shared>>) target(%dma_start3A_11 : memref<632x128xf32, #tpu.memory_space<hbm>>) target_semaphore(%run_scoped3A : memref<!tpu.dma_semaphore, #tpu.memory_space<semaphore_mem>>)
      %dma_wait3A = arith.constant 0 : i32
      %dma_wait3A_14 = tpu.memref_slice %arg6[%arg0, %multiple_of3A, %dma_wait3A] : memref<2x10000x128xf32, #tpu.memory_space<hbm>> -> memref<1x632x128xf32, #tpu.memory_space<hbm>>
      %dma_wait3A_15 = tpu.memref_squeeze %dma_wait3A_14 : memref<1x632x128xf32, #tpu.memory_space<hbm>> -> memref<632x128xf32, #tpu.memory_space<hbm>>
      %dma_wait3A_16 = arith.constant 0 : i32
      %dma_wait3A_17 = tpu.memref_slice %arg10[%multiple_of3A, %dma_wait3A_16] : memref<10008x128xf32, #tpu.memory_space<vmem_shared>> -> memref<632x128xf32, #tpu.memory_space<vmem_shared>>
      tpu.wait_dma2 semaphore(%run_scoped3A : memref<!tpu.dma_semaphore, #tpu.memory_space<semaphore_mem>>) src(%dma_wait3A_17 : memref<632x128xf32, #tpu.memory_space<vmem_shared>>) dst(%dma_wait3A_15 : memref<632x128xf32, #tpu.memory_space<hbm>>)
      tpu.yield
    }) : () -> ()
    return
  }
}

#map = affine_map<(d0, d1) -> (0, 0)>
#map1 = affine_map<(d0, d1) -> (0, 0, 0)>
#map2 = affine_map<(d0, d1) -> (0)>
module attributes {stable_mosaic.version = 14 : i64} {
  func.func @_sc_segsum(%arg0: i32, %arg1: i32, %arg2: memref<20000x128xf32, #tpu.memory_space<hbm>>, %arg3: memref<2x10000x128xf32, #tpu.memory_space<hbm>>, %arg4: memref<2x321536xi32, #tpu.memory_space<hbm>>, %arg5: memref<321536xi32, #tpu.memory_space<hbm>>, %arg6: memref<2x10000x128xf32, #tpu.memory_space<hbm>>, %arg7: memref<128xi32, #tpu.memory_space<vmem>>, %arg8: memref<128xi32, #tpu.memory_space<vmem>>, %arg9: memref<128x128xf32, #tpu.memory_space<vmem>>, %arg10: memref<10008x128xf32, #tpu.memory_space<vmem_shared>>, %arg11: memref<!tpu.dma_semaphore, #tpu.memory_space<semaphore_mem>>) attributes {dimension_semantics = [#tpu.dimension_semantics<core_parallel>, #tpu.dimension_semantics<subcore_parallel>], iteration_bounds = array<i64: 2, 16>, scalar_prefetch = 0 : i64, scratch_operands = 5 : i64, tpu.core_type = #tpu.core_type<sc_vector_subcore>, window_params = [{transform_indices = #map}, {transform_indices = #map1}, {transform_indices = #map}, {transform_indices = #map2}, {transform_indices = #map1}]} {
    %mul3A = arith.constant 632 : i32
    %mul3A_0 = arith.muli %arg1, %mul3A : i32
    %min3A = arith.constant 9368 : i32
    %min3A_1 = arith.minsi %mul3A_0, %min3A : i32
    %multiple_of3A = tpu.assume_multiple %min3A_1, 8 : i32
    "tpu.region"() ({
      %run_scoped3A = tpu.sem_alloc : memref<!tpu.dma_semaphore, #tpu.memory_space<semaphore_mem>>
      %dma_start3A = arith.constant 0 : i32
      %dma_start3A_10 = tpu.memref_slice %arg10[%multiple_of3A, %dma_start3A] : memref<10008x128xf32, #tpu.memory_space<vmem_shared>> -> memref<632x128xf32, #tpu.memory_space<vmem_shared>>
      %dma_start3A_11 = arith.constant 0 : i32
      %dma_start3A_12 = tpu.memref_slice %arg3[%arg0, %multiple_of3A, %dma_start3A_11] : memref<2x10000x128xf32, #tpu.memory_space<hbm>> -> memref<1x632x128xf32, #tpu.memory_space<hbm>>
      %dma_start3A_13 = tpu.memref_squeeze %dma_start3A_12 : memref<1x632x128xf32, #tpu.memory_space<hbm>> -> memref<632x128xf32, #tpu.memory_space<hbm>>
      tpu.enqueue_dma source(%dma_start3A_13 : memref<632x128xf32, #tpu.memory_space<hbm>>) target(%dma_start3A_10 : memref<632x128xf32, #tpu.memory_space<vmem_shared>>) target_semaphore(%run_scoped3A : memref<!tpu.dma_semaphore, #tpu.memory_space<semaphore_mem>>)
      %dma_wait3A = arith.constant 0 : i32
      %dma_wait3A_14 = tpu.memref_slice %arg10[%multiple_of3A, %dma_wait3A] : memref<10008x128xf32, #tpu.memory_space<vmem_shared>> -> memref<632x128xf32, #tpu.memory_space<vmem_shared>>
      %dma_wait3A_15 = arith.constant 0 : i32
      %dma_wait3A_16 = tpu.memref_slice %arg3[%arg0, %multiple_of3A, %dma_wait3A_15] : memref<2x10000x128xf32, #tpu.memory_space<hbm>> -> memref<1x632x128xf32, #tpu.memory_space<hbm>>
      %dma_wait3A_17 = tpu.memref_squeeze %dma_wait3A_16 : memref<1x632x128xf32, #tpu.memory_space<hbm>> -> memref<632x128xf32, #tpu.memory_space<hbm>>
      tpu.wait_dma2 semaphore(%run_scoped3A : memref<!tpu.dma_semaphore, #tpu.memory_space<semaphore_mem>>) src(%dma_wait3A_17 : memref<632x128xf32, #tpu.memory_space<hbm>>) dst(%dma_wait3A_14 : memref<632x128xf32, #tpu.memory_space<vmem_shared>>)
      tpu.yield
    }) : () -> ()
    %barrier3A = arith.constant 0 : index
    tpu.barrier barrier_id(%barrier3A)
    %mul3A_2 = arith.constant 20096 : i32
    %mul3A_3 = arith.muli %arg1, %mul3A_2 : i32
    %scan3A = arith.constant 0 : i32
    %scan3A_4 = arith.constant 0 : i32
    %scan3A_5 = arith.constant 157 : i32
    %scan3A_6 = arith.addi %scan3A_4, %scan3A_5 : i32
    %scan3A_7 = arith.constant 1 : i32
    scf.for %scan3A_10 = %scan3A_4 to %scan3A_6 step %scan3A_7  : i32 {
      %mul3A_11 = arith.constant 128 : i32
      %mul3A_12 = arith.muli %scan3A_10, %mul3A_11 : i32
      %add3A = arith.addi %mul3A_3, %mul3A_12 : i32
      "tpu.region"() ({
        %run_scoped3A = tpu.sem_alloc : memref<!tpu.dma_semaphore, #tpu.memory_space<semaphore_mem>>
        %dma_start3A_17 = tpu.memref_slice %arg4[%arg0, %add3A] : memref<2x321536xi32, #tpu.memory_space<hbm>> -> memref<1x128xi32, #tpu.memory_space<hbm>>
        %dma_start3A_18 = tpu.memref_squeeze %dma_start3A_17 : memref<1x128xi32, #tpu.memory_space<hbm>> -> memref<128xi32, #tpu.memory_space<hbm>>
        %dma_start3A_19 = tpu.memref_slice %arg4[%arg0, %add3A] : memref<2x321536xi32, #tpu.memory_space<hbm>> -> memref<1x128xi32, #tpu.memory_space<hbm>>
        %dma_start3A_20 = tpu.memref_squeeze %dma_start3A_19 : memref<1x128xi32, #tpu.memory_space<hbm>> -> memref<128xi32, #tpu.memory_space<hbm>>
        tpu.enqueue_dma source(%dma_start3A_20 : memref<128xi32, #tpu.memory_space<hbm>>) target(%arg7 : memref<128xi32, #tpu.memory_space<vmem>>) target_semaphore(%run_scoped3A : memref<!tpu.dma_semaphore, #tpu.memory_space<semaphore_mem>>)
        %dma_wait3A_21 = tpu.memref_slice %arg4[%arg0, %add3A] : memref<2x321536xi32, #tpu.memory_space<hbm>> -> memref<1x128xi32, #tpu.memory_space<hbm>>
        %dma_wait3A_22 = tpu.memref_squeeze %dma_wait3A_21 : memref<1x128xi32, #tpu.memory_space<hbm>> -> memref<128xi32, #tpu.memory_space<hbm>>
        %dma_wait3A_23 = tpu.memref_slice %arg4[%arg0, %add3A] : memref<2x321536xi32, #tpu.memory_space<hbm>> -> memref<1x128xi32, #tpu.memory_space<hbm>>
        %dma_wait3A_24 = tpu.memref_squeeze %dma_wait3A_23 : memref<1x128xi32, #tpu.memory_space<hbm>> -> memref<128xi32, #tpu.memory_space<hbm>>
        tpu.wait_dma2 semaphore(%run_scoped3A : memref<!tpu.dma_semaphore, #tpu.memory_space<semaphore_mem>>) src(%dma_wait3A_24 : memref<128xi32, #tpu.memory_space<hbm>>) dst(%arg7 : memref<128xi32, #tpu.memory_space<vmem>>)
        tpu.yield
      }) : () -> ()
      "tpu.region"() ({
        %run_scoped3A = tpu.sem_alloc : memref<!tpu.dma_semaphore, #tpu.memory_space<semaphore_mem>>
        %dma_start3A_17 = tpu.memref_slice %arg5[%add3A] : memref<321536xi32, #tpu.memory_space<hbm>> -> memref<128xi32, #tpu.memory_space<hbm>>
        %dma_start3A_18 = tpu.memref_slice %arg5[%add3A] : memref<321536xi32, #tpu.memory_space<hbm>> -> memref<128xi32, #tpu.memory_space<hbm>>
        tpu.enqueue_dma source(%dma_start3A_18 : memref<128xi32, #tpu.memory_space<hbm>>) target(%arg8 : memref<128xi32, #tpu.memory_space<vmem>>) target_semaphore(%run_scoped3A : memref<!tpu.dma_semaphore, #tpu.memory_space<semaphore_mem>>)
        %dma_wait3A_19 = tpu.memref_slice %arg5[%add3A] : memref<321536xi32, #tpu.memory_space<hbm>> -> memref<128xi32, #tpu.memory_space<hbm>>
        %dma_wait3A_20 = tpu.memref_slice %arg5[%add3A] : memref<321536xi32, #tpu.memory_space<hbm>> -> memref<128xi32, #tpu.memory_space<hbm>>
        tpu.wait_dma2 semaphore(%run_scoped3A : memref<!tpu.dma_semaphore, #tpu.memory_space<semaphore_mem>>) src(%dma_wait3A_20 : memref<128xi32, #tpu.memory_space<hbm>>) dst(%arg8 : memref<128xi32, #tpu.memory_space<vmem>>)
        tpu.yield
      }) : () -> ()
      %dma_start3A = arith.constant 0 : i32
      %dma_start3A_13 = arith.constant 0 : i32
      %dma_start3A_14 = tpu.memref_slice %arg2[%dma_start3A, %dma_start3A_13] : memref<20000x128xf32, #tpu.memory_space<hbm>> -> memref<20000x128xf32, #tpu.memory_space<hbm>>
      tpu.enqueue_indirect_dma source(%dma_start3A_14 : memref<20000x128xf32, #tpu.memory_space<hbm>>) target(%arg9 : memref<128x128xf32, #tpu.memory_space<vmem>>) offsets(%arg7 : memref<128xi32, #tpu.memory_space<vmem>>) semaphore(%arg11 : memref<!tpu.dma_semaphore, #tpu.memory_space<semaphore_mem>>)
      %dma_wait3A = arith.constant 0 : i32
      %dma_wait3A_15 = arith.constant 0 : i32
      %dma_wait3A_16 = tpu.memref_slice %arg2[%dma_wait3A, %dma_wait3A_15] : memref<20000x128xf32, #tpu.memory_space<hbm>> -> memref<20000x128xf32, #tpu.memory_space<hbm>>
      tpu.wait_indirect_dma semaphore(%arg11 : memref<!tpu.dma_semaphore, #tpu.memory_space<semaphore_mem>>) src(%dma_wait3A_16 : memref<20000x128xf32, #tpu.memory_space<hbm>>) dst(%arg9 : memref<128x128xf32, #tpu.memory_space<vmem>>)
      "tpu.region"() ({
        %run_scoped3A = tpu.sem_alloc : memref<!tpu.dma_semaphore, #tpu.memory_space<semaphore_mem>>
        %dma_start3A_17 = arith.constant 0 : i32
        %dma_start3A_18 = arith.constant 0 : i32
        %dma_start3A_19 = tpu.memref_slice %arg10[%dma_start3A_17, %dma_start3A_18] : memref<10008x128xf32, #tpu.memory_space<vmem_shared>> -> memref<10008x128xf32, #tpu.memory_space<vmem_shared>>
        tpu.enqueue_indirect_dma source(%arg9 : memref<128x128xf32, #tpu.memory_space<vmem>>) target(%dma_start3A_19 : memref<10008x128xf32, #tpu.memory_space<vmem_shared>>) offsets(%arg8 : memref<128xi32, #tpu.memory_space<vmem>>) semaphore(%run_scoped3A : memref<!tpu.dma_semaphore, #tpu.memory_space<semaphore_mem>>) {add = true}
        %dma_wait3A_20 = arith.constant 0 : i32
        %dma_wait3A_21 = arith.constant 0 : i32
        %dma_wait3A_22 = tpu.memref_slice %arg10[%dma_wait3A_20, %dma_wait3A_21] : memref<10008x128xf32, #tpu.memory_space<vmem_shared>> -> memref<10008x128xf32, #tpu.memory_space<vmem_shared>>
        tpu.wait_indirect_dma semaphore(%run_scoped3A : memref<!tpu.dma_semaphore, #tpu.memory_space<semaphore_mem>>) src(%arg9 : memref<128x128xf32, #tpu.memory_space<vmem>>) dst(%dma_wait3A_22 : memref<10008x128xf32, #tpu.memory_space<vmem_shared>>)
        tpu.yield
      }) : () -> ()
    }
    %scan3A_8 = arith.constant 157 : i32
    %barrier3A_9 = arith.constant 0 : index
    tpu.barrier barrier_id(%barrier3A_9)
    "tpu.region"() ({
      %run_scoped3A = tpu.sem_alloc : memref<!tpu.dma_semaphore, #tpu.memory_space<semaphore_mem>>
      %dma_start3A = arith.constant 0 : i32
      %dma_start3A_10 = tpu.memref_slice %arg6[%arg0, %multiple_of3A, %dma_start3A] : memref<2x10000x128xf32, #tpu.memory_space<hbm>> -> memref<1x632x128xf32, #tpu.memory_space<hbm>>
      %dma_start3A_11 = tpu.memref_squeeze %dma_start3A_10 : memref<1x632x128xf32, #tpu.memory_space<hbm>> -> memref<632x128xf32, #tpu.memory_space<hbm>>
      %dma_start3A_12 = arith.constant 0 : i32
      %dma_start3A_13 = tpu.memref_slice %arg10[%multiple_of3A, %dma_start3A_12] : memref<10008x128xf32, #tpu.memory_space<vmem_shared>> -> memref<632x128xf32, #tpu.memory_space<vmem_shared>>
      tpu.enqueue_dma source(%dma_start3A_13 : memref<632x128xf32, #tpu.memory_space<vmem_shared>>) target(%dma_start3A_11 : memref<632x128xf32, #tpu.memory_space<hbm>>) target_semaphore(%run_scoped3A : memref<!tpu.dma_semaphore, #tpu.memory_space<semaphore_mem>>)
      %dma_wait3A = arith.constant 0 : i32
      %dma_wait3A_14 = tpu.memref_slice %arg6[%arg0, %multiple_of3A, %dma_wait3A] : memref<2x10000x128xf32, #tpu.memory_space<hbm>> -> memref<1x632x128xf32, #tpu.memory_space<hbm>>
      %dma_wait3A_15 = tpu.memref_squeeze %dma_wait3A_14 : memref<1x632x128xf32, #tpu.memory_space<hbm>> -> memref<632x128xf32, #tpu.memory_space<hbm>>
      %dma_wait3A_16 = arith.constant 0 : i32
      %dma_wait3A_17 = tpu.memref_slice %arg10[%multiple_of3A, %dma_wait3A_16] : memref<10008x128xf32, #tpu.memory_space<vmem_shared>> -> memref<632x128xf32, #tpu.memory_space<vmem_shared>>
      tpu.wait_dma2 semaphore(%run_scoped3A : memref<!tpu.dma_semaphore, #tpu.memory_space<semaphore_mem>>) src(%dma_wait3A_17 : memref<632x128xf32, #tpu.memory_space<vmem_shared>>) dst(%dma_wait3A_15 : memref<632x128xf32, #tpu.memory_space<hbm>>)
      tpu.yield
    }) : () -> ()
    return
  }
}

module attributes {stable_mosaic.version = 14 : i64} {
  func.func @_tc_init_body(%arg0: i32, %arg1: memref<1000x128xf32, #tpu.memory_space<vmem>>, %arg2: memref<128x256xf32, #tpu.memory_space<vmem>>, %arg3: memref<1x256xf32, #tpu.memory_space<vmem>>, %arg4: memref<1xf32, #tpu.memory_space<smem>>, %arg5: memref<2x1000x128xf32, #tpu.memory_space<vmem>>, %arg6: memref<2x1000x128xf32, #tpu.memory_space<vmem>>) attributes {dimension_semantics = [#tpu.dimension_semantics<arbitrary>], iteration_bounds = array<i64: 10>, scalar_prefetch = 0 : i64, scratch_operands = 0 : i64, tpu.core_type = #tpu.core_type<tc>, window_params = [{transform_indices = @transform_0, window_bounds = array<i64: 1000, 128>}, {pipeline_mode = #tpu.pipeline_mode<synchronous>, transform_indices = @transform_1, window_bounds = array<i64: 128, 256>}, {pipeline_mode = #tpu.pipeline_mode<synchronous>, transform_indices = @transform_2, window_bounds = array<i64: 1, 256>}, {transform_indices = @transform_3, window_bounds = array<i64: 1>}, {transform_indices = @transform_4, window_bounds = array<i64: 2, 1000, 128>}, {transform_indices = @transform_5, window_bounds = array<i64: 2, 1000, 128>}]} {
    %get3A = arith.constant 0 : index
    %get3A_0 = arith.constant 0 : index
    %get3A_1 = vector.load %arg1[%get3A, %get3A_0] : memref<1000x128xf32, #tpu.memory_space<vmem>>, vector<1000x128xf32>
    %get3A_2 = arith.constant 0 : index
    %get3A_3 = arith.constant 0 : index
    %get3A_4 = vector.load %arg2[%get3A_2, %get3A_3] : memref<128x256xf32, #tpu.memory_space<vmem>>, vector<128x256xf32>
    %dot_general3A = arith.constant dense<0.000000e+00> : vector<1000x256xf32>
    %dot_general3A_5 = tpu.matmul %get3A_1, %get3A_4, %dot_general3A {dimension_numbers = #tpu.dot_dimension_numbers<[1], [0], [0], [1], [0, 0, 1, 1], [], []>, transpose_lhs_hint = false} : vector<1000x128xf32>, vector<128x256xf32>, vector<1000x256xf32> -> vector<1000x256xf32>
    %get3A_6 = arith.constant 0 : index
    %get3A_7 = arith.constant 0 : index
    %get3A_8 = vector.load %arg3[%get3A_6, %get3A_7] : memref<1x256xf32, #tpu.memory_space<vmem>>, vector<1x256xf32>
    %add3A = vector.broadcast %get3A_8 : vector<1x256xf32> to vector<1000x256xf32>
    %add3A_9 = arith.addf %dot_general3A_5, %add3A : vector<1000x256xf32>
    %max3A = arith.constant 0.000000e+00 : f32
    %max3A_10 = vector.broadcast %max3A : f32 to vector<1000x256xf32>
    %max3A_11 = arith.maximumf %add3A_9, %max3A_10 : vector<1000x256xf32>
    %slice3A = vector.extract_strided_slice %max3A_11 {offsets = [0, 0], sizes = [1000, 128], strides = [1, 1]} : vector<1000x256xf32> to vector<1000x128xf32>
    %swap3A = arith.constant 0 : index
    %swap3A_12 = arith.constant 0 : index
    %swap3A_13 = arith.constant 0 : index
    %swap3A_14 = vector.load %arg5[%swap3A, %swap3A_12, %swap3A_13] : memref<2x1000x128xf32, #tpu.memory_space<vmem>>, vector<1x1000x128xf32>
    %swap3A_15 = vector.shape_cast %swap3A_14 : vector<1x1000x128xf32> to vector<1000x128xf32>
    %swap3A_16 = vector.shape_cast %slice3A : vector<1000x128xf32> to vector<1x1000x128xf32>
    tpu.vector_store %arg5[%swap3A, %swap3A_12, %swap3A_13], %swap3A_16 {strides = array<i32>} : memref<2x1000x128xf32, #tpu.memory_space<vmem>>, vector<1x1000x128xf32>,
    %slice3A_17 = vector.extract_strided_slice %max3A_11 {offsets = [0, 128], sizes = [1000, 128], strides = [1, 1]} : vector<1000x256xf32> to vector<1000x128xf32>
    %swap3A_18 = arith.constant 1 : index
    %swap3A_19 = arith.constant 0 : index
    %swap3A_20 = arith.constant 0 : index
    %swap3A_21 = vector.load %arg5[%swap3A_18, %swap3A_19, %swap3A_20] : memref<2x1000x128xf32, #tpu.memory_space<vmem>>, vector<1x1000x128xf32>
    %swap3A_22 = vector.shape_cast %swap3A_21 : vector<1x1000x128xf32> to vector<1000x128xf32>
    %swap3A_23 = vector.shape_cast %slice3A_17 : vector<1000x128xf32> to vector<1x1000x128xf32>
    tpu.vector_store %arg5[%swap3A_18, %swap3A_19, %swap3A_20], %swap3A_23 {strides = array<i32>} : memref<2x1000x128xf32, #tpu.memory_space<vmem>>, vector<1x1000x128xf32>,
    %get3A_24 = arith.constant 0 : index
    %get3A_25 = memref.load %arg4[%get3A_24] : memref<1xf32, #tpu.memory_space<smem>>
    %slice3A_26 = vector.extract_strided_slice %max3A_11 {offsets = [0, 0], sizes = [1000, 128], strides = [1, 1]} : vector<1000x256xf32> to vector<1000x128xf32>
    %mul3A = vector.broadcast %get3A_25 : f32 to vector<1000x128xf32>
    %mul3A_27 = arith.mulf %mul3A, %slice3A_26 : vector<1000x128xf32>
    %swap3A_28 = arith.constant 0 : index
    %swap3A_29 = arith.constant 0 : index
    %swap3A_30 = arith.constant 0 : index
    %swap3A_31 = vector.load %arg6[%swap3A_28, %swap3A_29, %swap3A_30] : memref<2x1000x128xf32, #tpu.memory_space<vmem>>, vector<1x1000x128xf32>
    %swap3A_32 = vector.shape_cast %swap3A_31 : vector<1x1000x128xf32> to vector<1000x128xf32>
    %swap3A_33 = vector.shape_cast %mul3A_27 : vector<1000x128xf32> to vector<1x1000x128xf32>
    tpu.vector_store %arg6[%swap3A_28, %swap3A_29, %swap3A_30], %swap3A_33 {strides = array<i32>} : memref<2x1000x128xf32, #tpu.memory_space<vmem>>, vector<1x1000x128xf32>,
    %slice3A_34 = vector.extract_strided_slice %max3A_11 {offsets = [0, 128], sizes = [1000, 128], strides = [1, 1]} : vector<1000x256xf32> to vector<1000x128xf32>
    %mul3A_35 = vector.broadcast %get3A_25 : f32 to vector<1000x128xf32>
    %mul3A_36 = arith.mulf %mul3A_35, %slice3A_34 : vector<1000x128xf32>
    %swap3A_37 = arith.constant 1 : index
    %swap3A_38 = arith.constant 0 : index
    %swap3A_39 = arith.constant 0 : index
    %swap3A_40 = vector.load %arg6[%swap3A_37, %swap3A_38, %swap3A_39] : memref<2x1000x128xf32, #tpu.memory_space<vmem>>, vector<1x1000x128xf32>
    %swap3A_41 = vector.shape_cast %swap3A_40 : vector<1x1000x128xf32> to vector<1000x128xf32>
    %swap3A_42 = vector.shape_cast %mul3A_36 : vector<1000x128xf32> to vector<1x1000x128xf32>
    tpu.vector_store %arg6[%swap3A_37, %swap3A_38, %swap3A_39], %swap3A_42 {strides = array<i32>} : memref<2x1000x128xf32, #tpu.memory_space<vmem>>, vector<1x1000x128xf32>,
    return
  }
  func.func @transform_0(%arg0: i32) -> (i32, i32) {
    %c0_i32 = arith.constant 0 : i32
    %c0_i32_0 = arith.constant 0 : i32
    return %arg0, %c0_i32 : i32, i32
  }
  func.func @transform_1(%arg0: i32) -> (i32, i32) {
    %c0_i32 = arith.constant 0 : i32
    %c0_i32_0 = arith.constant 0 : i32
    %c0_i32_1 = arith.constant 0 : i32
    return %c0_i32, %c0_i32_0 : i32, i32
  }
  func.func @transform_2(%arg0: i32) -> (i32, i32) {
    %c0_i32 = arith.constant 0 : i32
    %c0_i32_0 = arith.constant 0 : i32
    %c0_i32_1 = arith.constant 0 : i32
    return %c0_i32, %c0_i32_0 : i32, i32
  }
  func.func @transform_3(%arg0: i32) -> i32 {
    %c0_i32 = arith.constant 0 : i32
    %c0_i32_0 = arith.constant 0 : i32
    return %c0_i32 : i32
  }
  func.func @transform_4(%arg0: i32) -> (i32, i32, i32) {
    %c0_i32 = arith.constant 0 : i32
    %c0_i32_0 = arith.constant 0 : i32
    %c0_i32_1 = arith.constant 0 : i32
    return %c0_i32, %arg0, %c0_i32_0 : i32, i32, i32
  }
  func.func @transform_5(%arg0: i32) -> (i32, i32, i32) {
    %c0_i32 = arith.constant 0 : i32
    %c0_i32_0 = arith.constant 0 : i32
    %c0_i32_1 = arith.constant 0 : i32
    return %c0_i32, %arg0, %c0_i32_0 : i32, i32, i32
  }
}

module attributes {stable_mosaic.version = 14 : i64} {
  func.func @_tc_layer_body(%arg0: i32, %arg1: memref<2x1000x128xf32, #tpu.memory_space<vmem>>, %arg2: memref<256x256xf32, #tpu.memory_space<vmem>>, %arg3: memref<1x256xf32, #tpu.memory_space<vmem>>, %arg4: memref<256x256xf32, #tpu.memory_space<vmem>>, %arg5: memref<1x256xf32, #tpu.memory_space<vmem>>, %arg6: memref<1xf32, #tpu.memory_space<smem>>, %arg7: memref<2x1000x128xf32, #tpu.memory_space<vmem>>, %arg8: memref<2x1000x128xf32, #tpu.memory_space<vmem>>) attributes {dimension_semantics = [#tpu.dimension_semantics<arbitrary>], iteration_bounds = array<i64: 10>, scalar_prefetch = 0 : i64, scratch_operands = 0 : i64, tpu.core_type = #tpu.core_type<tc>, window_params = [{transform_indices = @transform_0, window_bounds = array<i64: 2, 1000, 128>}, {pipeline_mode = #tpu.pipeline_mode<synchronous>, transform_indices = @transform_1, window_bounds = array<i64: 256, 256>}, {pipeline_mode = #tpu.pipeline_mode<synchronous>, transform_indices = @transform_2, window_bounds = array<i64: 1, 256>}, {pipeline_mode = #tpu.pipeline_mode<synchronous>, transform_indices = @transform_3, window_bounds = array<i64: 256, 256>}, {pipeline_mode = #tpu.pipeline_mode<synchronous>, transform_indices = @transform_4, window_bounds = array<i64: 1, 256>}, {transform_indices = @transform_5, window_bounds = array<i64: 1>}, {transform_indices = @transform_6, window_bounds = array<i64: 2, 1000, 128>}, {transform_indices = @transform_7, window_bounds = array<i64: 2, 1000, 128>}]} {
    %get3A = arith.constant 0 : index
    %get3A_0 = arith.constant 0 : index
    %get3A_1 = arith.constant 0 : index
    %get3A_2 = vector.load %arg1[%get3A, %get3A_0, %get3A_1] : memref<2x1000x128xf32, #tpu.memory_space<vmem>>, vector<1x1000x128xf32>
    %get3A_3 = vector.shape_cast %get3A_2 : vector<1x1000x128xf32> to vector<1000x128xf32>
    %get3A_4 = arith.constant 1 : index
    %get3A_5 = arith.constant 0 : index
    %get3A_6 = arith.constant 0 : index
    %get3A_7 = vector.load %arg1[%get3A_4, %get3A_5, %get3A_6] : memref<2x1000x128xf32, #tpu.memory_space<vmem>>, vector<1x1000x128xf32>
    %get3A_8 = vector.shape_cast %get3A_7 : vector<1x1000x128xf32> to vector<1000x128xf32>
    %concatenate3A = tpu.concatenate %get3A_3, %get3A_8 in 1 : vector<1000x128xf32>, vector<1000x128xf32> -> vector<1000x256xf32>
    %get3A_9 = arith.constant 0 : index
    %get3A_10 = arith.constant 0 : index
    %get3A_11 = vector.load %arg2[%get3A_9, %get3A_10] : memref<256x256xf32, #tpu.memory_space<vmem>>, vector<256x256xf32>
    %dot_general3A = arith.constant dense<0.000000e+00> : vector<1000x256xf32>
    %dot_general3A_12 = tpu.matmul %concatenate3A, %get3A_11, %dot_general3A {dimension_numbers = #tpu.dot_dimension_numbers<[1], [0], [0], [1], [0, 0, 1, 1], [], []>, transpose_lhs_hint = false} : vector<1000x256xf32>, vector<256x256xf32>, vector<1000x256xf32> -> vector<1000x256xf32>
    %get3A_13 = arith.constant 0 : index
    %get3A_14 = arith.constant 0 : index
    %get3A_15 = vector.load %arg3[%get3A_13, %get3A_14] : memref<1x256xf32, #tpu.memory_space<vmem>>, vector<1x256xf32>
    %add3A = vector.broadcast %get3A_15 : vector<1x256xf32> to vector<1000x256xf32>
    %add3A_16 = arith.addf %dot_general3A_12, %add3A : vector<1000x256xf32>
    %max3A = arith.constant 0.000000e+00 : f32
    %max3A_17 = vector.broadcast %max3A : f32 to vector<1000x256xf32>
    %max3A_18 = arith.maximumf %add3A_16, %max3A_17 : vector<1000x256xf32>
    %get3A_19 = arith.constant 0 : index
    %get3A_20 = arith.constant 0 : index
    %get3A_21 = vector.load %arg4[%get3A_19, %get3A_20] : memref<256x256xf32, #tpu.memory_space<vmem>>, vector<256x256xf32>
    %dot_general3A_22 = arith.constant dense<0.000000e+00> : vector<1000x256xf32>
    %dot_general3A_23 = tpu.matmul %max3A_18, %get3A_21, %dot_general3A_22 {dimension_numbers = #tpu.dot_dimension_numbers<[1], [0], [0], [1], [0, 0, 1, 1], [], []>, transpose_lhs_hint = false} : vector<1000x256xf32>, vector<256x256xf32>, vector<1000x256xf32> -> vector<1000x256xf32>
    %get3A_24 = arith.constant 0 : index
    %get3A_25 = arith.constant 0 : index
    %get3A_26 = vector.load %arg5[%get3A_24, %get3A_25] : memref<1x256xf32, #tpu.memory_space<vmem>>, vector<1x256xf32>
    %add3A_27 = vector.broadcast %get3A_26 : vector<1x256xf32> to vector<1000x256xf32>
    %add3A_28 = arith.addf %dot_general3A_23, %add3A_27 : vector<1000x256xf32>
    %max3A_29 = arith.constant 0.000000e+00 : f32
    %max3A_30 = vector.broadcast %max3A_29 : f32 to vector<1000x256xf32>
    %max3A_31 = arith.maximumf %add3A_28, %max3A_30 : vector<1000x256xf32>
    %slice3A = vector.extract_strided_slice %max3A_31 {offsets = [0, 0], sizes = [1000, 128], strides = [1, 1]} : vector<1000x256xf32> to vector<1000x128xf32>
    %swap3A = arith.constant 0 : index
    %swap3A_32 = arith.constant 0 : index
    %swap3A_33 = arith.constant 0 : index
    %swap3A_34 = vector.load %arg7[%swap3A, %swap3A_32, %swap3A_33] : memref<2x1000x128xf32, #tpu.memory_space<vmem>>, vector<1x1000x128xf32>
    %swap3A_35 = vector.shape_cast %swap3A_34 : vector<1x1000x128xf32> to vector<1000x128xf32>
    %swap3A_36 = vector.shape_cast %slice3A : vector<1000x128xf32> to vector<1x1000x128xf32>
    tpu.vector_store %arg7[%swap3A, %swap3A_32, %swap3A_33], %swap3A_36 {strides = array<i32>} : memref<2x1000x128xf32, #tpu.memory_space<vmem>>, vector<1x1000x128xf32>,
    %slice3A_37 = vector.extract_strided_slice %max3A_31 {offsets = [0, 128], sizes = [1000, 128], strides = [1, 1]} : vector<1000x256xf32> to vector<1000x128xf32>
    %swap3A_38 = arith.constant 1 : index
    %swap3A_39 = arith.constant 0 : index
    %swap3A_40 = arith.constant 0 : index
    %swap3A_41 = vector.load %arg7[%swap3A_38, %swap3A_39, %swap3A_40] : memref<2x1000x128xf32, #tpu.memory_space<vmem>>, vector<1x1000x128xf32>
    %swap3A_42 = vector.shape_cast %swap3A_41 : vector<1x1000x128xf32> to vector<1000x128xf32>
    %swap3A_43 = vector.shape_cast %slice3A_37 : vector<1000x128xf32> to vector<1x1000x128xf32>
    tpu.vector_store %arg7[%swap3A_38, %swap3A_39, %swap3A_40], %swap3A_43 {strides = array<i32>} : memref<2x1000x128xf32, #tpu.memory_space<vmem>>, vector<1x1000x128xf32>,
    %get3A_44 = arith.constant 0 : index
    %get3A_45 = memref.load %arg6[%get3A_44] : memref<1xf32, #tpu.memory_space<smem>>
    %slice3A_46 = vector.extract_strided_slice %max3A_31 {offsets = [0, 0], sizes = [1000, 128], strides = [1, 1]} : vector<1000x256xf32> to vector<1000x128xf32>
    %mul3A = vector.broadcast %get3A_45 : f32 to vector<1000x128xf32>
    %mul3A_47 = arith.mulf %mul3A, %slice3A_46 : vector<1000x128xf32>
    %swap3A_48 = arith.constant 0 : index
    %swap3A_49 = arith.constant 0 : index
    %swap3A_50 = arith.constant 0 : index
    %swap3A_51 = vector.load %arg8[%swap3A_48, %swap3A_49, %swap3A_50] : memref<2x1000x128xf32, #tpu.memory_space<vmem>>, vector<1x1000x128xf32>
    %swap3A_52 = vector.shape_cast %swap3A_51 : vector<1x1000x128xf32> to vector<1000x128xf32>
    %swap3A_53 = vector.shape_cast %mul3A_47 : vector<1000x128xf32> to vector<1x1000x128xf32>
    tpu.vector_store %arg8[%swap3A_48, %swap3A_49, %swap3A_50], %swap3A_53 {strides = array<i32>} : memref<2x1000x128xf32, #tpu.memory_space<vmem>>, vector<1x1000x128xf32>,
    %slice3A_54 = vector.extract_strided_slice %max3A_31 {offsets = [0, 128], sizes = [1000, 128], strides = [1, 1]} : vector<1000x256xf32> to vector<1000x128xf32>
    %mul3A_55 = vector.broadcast %get3A_45 : f32 to vector<1000x128xf32>
    %mul3A_56 = arith.mulf %mul3A_55, %slice3A_54 : vector<1000x128xf32>
    %swap3A_57 = arith.constant 1 : index
    %swap3A_58 = arith.constant 0 : index
    %swap3A_59 = arith.constant 0 : index
    %swap3A_60 = vector.load %arg8[%swap3A_57, %swap3A_58, %swap3A_59] : memref<2x1000x128xf32, #tpu.memory_space<vmem>>, vector<1x1000x128xf32>
    %swap3A_61 = vector.shape_cast %swap3A_60 : vector<1x1000x128xf32> to vector<1000x128xf32>
    %swap3A_62 = vector.shape_cast %mul3A_56 : vector<1000x128xf32> to vector<1x1000x128xf32>
    tpu.vector_store %arg8[%swap3A_57, %swap3A_58, %swap3A_59], %swap3A_62 {strides = array<i32>} : memref<2x1000x128xf32, #tpu.memory_space<vmem>>, vector<1x1000x128xf32>,
    return
  }
  func.func @transform_0(%arg0: i32) -> (i32, i32, i32) {
    %c0_i32 = arith.constant 0 : i32
    %c0_i32_0 = arith.constant 0 : i32
    %c0_i32_1 = arith.constant 0 : i32
    return %c0_i32, %arg0, %c0_i32_0 : i32, i32, i32
  }
  func.func @transform_1(%arg0: i32) -> (i32, i32) {
    %c0_i32 = arith.constant 0 : i32
    %c0_i32_0 = arith.constant 0 : i32
    %c0_i32_1 = arith.constant 0 : i32
    return %c0_i32, %c0_i32_0 : i32, i32
  }
  func.func @transform_2(%arg0: i32) -> (i32, i32) {
    %c0_i32 = arith.constant 0 : i32
    %c0_i32_0 = arith.constant 0 : i32
    %c0_i32_1 = arith.constant 0 : i32
    return %c0_i32, %c0_i32_0 : i32, i32
  }
  func.func @transform_3(%arg0: i32) -> (i32, i32) {
    %c0_i32 = arith.constant 0 : i32
    %c0_i32_0 = arith.constant 0 : i32
    %c0_i32_1 = arith.constant 0 : i32
    return %c0_i32, %c0_i32_0 : i32, i32
  }
  func.func @transform_4(%arg0: i32) -> (i32, i32) {
    %c0_i32 = arith.constant 0 : i32
    %c0_i32_0 = arith.constant 0 : i32
    %c0_i32_1 = arith.constant 0 : i32
    return %c0_i32, %c0_i32_0 : i32, i32
  }
  func.func @transform_5(%arg0: i32) -> i32 {
    %c0_i32 = arith.constant 0 : i32
    %c0_i32_0 = arith.constant 0 : i32
    return %c0_i32 : i32
  }
  func.func @transform_6(%arg0: i32) -> (i32, i32, i32) {
    %c0_i32 = arith.constant 0 : i32
    %c0_i32_0 = arith.constant 0 : i32
    %c0_i32_1 = arith.constant 0 : i32
    return %c0_i32, %arg0, %c0_i32_0 : i32, i32, i32
  }
  func.func @transform_7(%arg0: i32) -> (i32, i32, i32) {
    %c0_i32 = arith.constant 0 : i32
    %c0_i32_0 = arith.constant 0 : i32
    %c0_i32_1 = arith.constant 0 : i32
    return %c0_i32, %arg0, %c0_i32_0 : i32, i32, i32
  }
}

module attributes {stable_mosaic.version = 14 : i64} {
  func.func @_tc_last_body(%arg0: i32, %arg1: memref<2x1000x128xf32, #tpu.memory_space<vmem>>, %arg2: memref<256x256xf32, #tpu.memory_space<vmem>>, %arg3: memref<1x256xf32, #tpu.memory_space<vmem>>, %arg4: memref<256x256xf32, #tpu.memory_space<vmem>>, %arg5: memref<1x256xf32, #tpu.memory_space<vmem>>, %arg6: memref<256x128xf32, #tpu.memory_space<vmem>>, %arg7: memref<1x128xf32, #tpu.memory_space<vmem>>, %arg8: memref<1000x128xf32, #tpu.memory_space<vmem>>) attributes {dimension_semantics = [#tpu.dimension_semantics<arbitrary>], iteration_bounds = array<i64: 10>, scalar_prefetch = 0 : i64, scratch_operands = 0 : i64, tpu.core_type = #tpu.core_type<tc>, window_params = [{transform_indices = @transform_0, window_bounds = array<i64: 2, 1000, 128>}, {pipeline_mode = #tpu.pipeline_mode<synchronous>, transform_indices = @transform_1, window_bounds = array<i64: 256, 256>}, {pipeline_mode = #tpu.pipeline_mode<synchronous>, transform_indices = @transform_2, window_bounds = array<i64: 1, 256>}, {pipeline_mode = #tpu.pipeline_mode<synchronous>, transform_indices = @transform_3, window_bounds = array<i64: 256, 256>}, {pipeline_mode = #tpu.pipeline_mode<synchronous>, transform_indices = @transform_4, window_bounds = array<i64: 1, 256>}, {pipeline_mode = #tpu.pipeline_mode<synchronous>, transform_indices = @transform_5, window_bounds = array<i64: 256, 128>}, {pipeline_mode = #tpu.pipeline_mode<synchronous>, transform_indices = @transform_6, window_bounds = array<i64: 1, 128>}, {transform_indices = @transform_7, window_bounds = array<i64: 1000, 128>}]} {
    %get3A = arith.constant 0 : index
    %get3A_0 = arith.constant 0 : index
    %get3A_1 = arith.constant 0 : index
    %get3A_2 = vector.load %arg1[%get3A, %get3A_0, %get3A_1] : memref<2x1000x128xf32, #tpu.memory_space<vmem>>, vector<1x1000x128xf32>
    %get3A_3 = vector.shape_cast %get3A_2 : vector<1x1000x128xf32> to vector<1000x128xf32>
    %get3A_4 = arith.constant 1 : index
    %get3A_5 = arith.constant 0 : index
    %get3A_6 = arith.constant 0 : index
    %get3A_7 = vector.load %arg1[%get3A_4, %get3A_5, %get3A_6] : memref<2x1000x128xf32, #tpu.memory_space<vmem>>, vector<1x1000x128xf32>
    %get3A_8 = vector.shape_cast %get3A_7 : vector<1x1000x128xf32> to vector<1000x128xf32>
    %concatenate3A = tpu.concatenate %get3A_3, %get3A_8 in 1 : vector<1000x128xf32>, vector<1000x128xf32> -> vector<1000x256xf32>
    %get3A_9 = arith.constant 0 : index
    %get3A_10 = arith.constant 0 : index
    %get3A_11 = vector.load %arg2[%get3A_9, %get3A_10] : memref<256x256xf32, #tpu.memory_space<vmem>>, vector<256x256xf32>
    %dot_general3A = arith.constant dense<0.000000e+00> : vector<1000x256xf32>
    %dot_general3A_12 = tpu.matmul %concatenate3A, %get3A_11, %dot_general3A {dimension_numbers = #tpu.dot_dimension_numbers<[1], [0], [0], [1], [0, 0, 1, 1], [], []>, transpose_lhs_hint = false} : vector<1000x256xf32>, vector<256x256xf32>, vector<1000x256xf32> -> vector<1000x256xf32>
    %get3A_13 = arith.constant 0 : index
    %get3A_14 = arith.constant 0 : index
    %get3A_15 = vector.load %arg3[%get3A_13, %get3A_14] : memref<1x256xf32, #tpu.memory_space<vmem>>, vector<1x256xf32>
    %add3A = vector.broadcast %get3A_15 : vector<1x256xf32> to vector<1000x256xf32>
    %add3A_16 = arith.addf %dot_general3A_12, %add3A : vector<1000x256xf32>
    %max3A = arith.constant 0.000000e+00 : f32
    %max3A_17 = vector.broadcast %max3A : f32 to vector<1000x256xf32>
    %max3A_18 = arith.maximumf %add3A_16, %max3A_17 : vector<1000x256xf32>
    %get3A_19 = arith.constant 0 : index
    %get3A_20 = arith.constant 0 : index
    %get3A_21 = vector.load %arg4[%get3A_19, %get3A_20] : memref<256x256xf32, #tpu.memory_space<vmem>>, vector<256x256xf32>
    %dot_general3A_22 = arith.constant dense<0.000000e+00> : vector<1000x256xf32>
    %dot_general3A_23 = tpu.matmul %max3A_18, %get3A_21, %dot_general3A_22 {dimension_numbers = #tpu.dot_dimension_numbers<[1], [0], [0], [1], [0, 0, 1, 1], [], []>, transpose_lhs_hint = false} : vector<1000x256xf32>, vector<256x256xf32>, vector<1000x256xf32> -> vector<1000x256xf32>
    %get3A_24 = arith.constant 0 : index
    %get3A_25 = arith.constant 0 : index
    %get3A_26 = vector.load %arg5[%get3A_24, %get3A_25] : memref<1x256xf32, #tpu.memory_space<vmem>>, vector<1x256xf32>
    %add3A_27 = vector.broadcast %get3A_26 : vector<1x256xf32> to vector<1000x256xf32>
    %add3A_28 = arith.addf %dot_general3A_23, %add3A_27 : vector<1000x256xf32>
    %max3A_29 = arith.constant 0.000000e+00 : f32
    %max3A_30 = vector.broadcast %max3A_29 : f32 to vector<1000x256xf32>
    %max3A_31 = arith.maximumf %add3A_28, %max3A_30 : vector<1000x256xf32>
    %get3A_32 = arith.constant 0 : index
    %get3A_33 = arith.constant 0 : index
    %get3A_34 = vector.load %arg6[%get3A_32, %get3A_33] : memref<256x128xf32, #tpu.memory_space<vmem>>, vector<256x128xf32>
    %dot_general3A_35 = arith.constant dense<0.000000e+00> : vector<1000x128xf32>
    %dot_general3A_36 = tpu.matmul %max3A_31, %get3A_34, %dot_general3A_35 {dimension_numbers = #tpu.dot_dimension_numbers<[1], [0], [0], [1], [0, 0, 1, 1], [], []>, transpose_lhs_hint = false} : vector<1000x256xf32>, vector<256x128xf32>, vector<1000x128xf32> -> vector<1000x128xf32>
    %get3A_37 = arith.constant 0 : index
    %get3A_38 = arith.constant 0 : index
    %get3A_39 = vector.load %arg7[%get3A_37, %get3A_38] : memref<1x128xf32, #tpu.memory_space<vmem>>, vector<1x128xf32>
    %add3A_40 = vector.broadcast %get3A_39 : vector<1x128xf32> to vector<1000x128xf32>
    %add3A_41 = arith.addf %dot_general3A_36, %add3A_40 : vector<1000x128xf32>
    %swap3A = arith.constant 0 : index
    %swap3A_42 = arith.constant 0 : index
    %swap3A_43 = vector.load %arg8[%swap3A, %swap3A_42] : memref<1000x128xf32, #tpu.memory_space<vmem>>, vector<1000x128xf32>
    tpu.vector_store %arg8[%swap3A, %swap3A_42], %add3A_41 {strides = array<i32>} : memref<1000x128xf32, #tpu.memory_space<vmem>>, vector<1000x128xf32>,
    return
  }
  func.func @transform_0(%arg0: i32) -> (i32, i32, i32) {
    %c0_i32 = arith.constant 0 : i32
    %c0_i32_0 = arith.constant 0 : i32
    %c0_i32_1 = arith.constant 0 : i32
    return %c0_i32, %arg0, %c0_i32_0 : i32, i32, i32
  }
  func.func @transform_1(%arg0: i32) -> (i32, i32) {
    %c0_i32 = arith.constant 0 : i32
    %c0_i32_0 = arith.constant 0 : i32
    %c0_i32_1 = arith.constant 0 : i32
    return %c0_i32, %c0_i32_0 : i32, i32
  }
  func.func @transform_2(%arg0: i32) -> (i32, i32) {
    %c0_i32 = arith.constant 0 : i32
    %c0_i32_0 = arith.constant 0 : i32
    %c0_i32_1 = arith.constant 0 : i32
    return %c0_i32, %c0_i32_0 : i32, i32
  }
  func.func @transform_3(%arg0: i32) -> (i32, i32) {
    %c0_i32 = arith.constant 0 : i32
    %c0_i32_0 = arith.constant 0 : i32
    %c0_i32_1 = arith.constant 0 : i32
    return %c0_i32, %c0_i32_0 : i32, i32
  }
  func.func @transform_4(%arg0: i32) -> (i32, i32) {
    %c0_i32 = arith.constant 0 : i32
    %c0_i32_0 = arith.constant 0 : i32
    %c0_i32_1 = arith.constant 0 : i32
    return %c0_i32, %c0_i32_0 : i32, i32
  }
  func.func @transform_5(%arg0: i32) -> (i32, i32) {
    %c0_i32 = arith.constant 0 : i32
    %c0_i32_0 = arith.constant 0 : i32
    %c0_i32_1 = arith.constant 0 : i32
    return %c0_i32, %c0_i32_0 : i32, i32
  }
  func.func @transform_6(%arg0: i32) -> (i32, i32) {
    %c0_i32 = arith.constant 0 : i32
    %c0_i32_0 = arith.constant 0 : i32
    %c0_i32_1 = arith.constant 0 : i32
    return %c0_i32, %c0_i32_0 : i32, i32
  }
  func.func @transform_7(%arg0: i32) -> (i32, i32) {
    %c0_i32 = arith.constant 0 : i32
    %c0_i32_0 = arith.constant 0 : i32
    return %arg0, %c0_i32 : i32, i32
  }
}

</mosaic_0001>

<sc_bundles>
// kernel: kernel.12.cloned.1.call-start
scs
__scs_entry_jumppad:
0x0: {  	(pc) =	sbr.rel $0x88, $3  }
0x1: {  	(tag) =	ssettag $0x0;
	lr =	simm.s32 $0x1  }
0x2: {  	[smem:$0x3F92] =	sst lr;
	_ =	strace $0xD0000000  }
0x3: {  	_ = 	snop  }
0x4: {  	_ = 	snop  }
0x5: {  	_ = 	snop  }
0x6: {  	_ = 	snop  }
0x7: {  	_ = 	snop  }
__scs_overlays_trampoline_lowered:
0x8: {  	[smem:$0x3FA1] =	sst s0  }
0x9: {  	[smem:$0x3FA2] =	sst s1  }
0xa: {  	[smem:$0x3FA3] =	sst s2  }
0xb: {  	[smem:$0x3FA4] =	sst s3  }
0xc: {  	[smem:$0x3FA5] =	sst s4  }
0xd: {  	[smem:$0x3FA6] =	sst s5  }
0xe: {  	[smem:$0x3FA7] =	sst s6  }
0xf: {  	[smem:$0x3FA8] =	sst s7  }
0x10: {  	[smem:$0x3FA9] =	sst s8  }
0x11: {  	[smem:$0x3FAA] =	sst s9;
	s0 =	simm.s32 @!p0 $0x0  }
0x12: {  	s1 =	sld [smem:$0x3F90];
	s0 =	simm.s32 @p0 $0x1  }
0x13: {  	[smem:$0x3FAB] =	sst s0;
	s0 =	simm.s32 @!p1 $0x0  }
0x14: {  	s2 =	sld [smem:$0x3F8F];
	s0 =	simm.s32 @p1 $0x1  }
0x15: {  	[smem:$0x3FAC] =	sst s0;
	s0 =	simm.s32 @!p2 $0x0  }
0x16: {  	s3 =	sld [smem:$0x3FDB];
	s0 =	simm.s32 @p2 $0x1  }
0x17: {  	s4 =	simm.s32 $0x1BF5;
	[smem:$0x3FAE] =	sst s0  }
0x18: {  	s0 =	sld [smem:$0x3F91];
	_ =	swait.ge [sflag:s4], $0x0  }
0x19: {  	s7 =	sld [smem:$0x3F92]  }
0x1a: {  	s8 =	sadd.s32 $0xFFFFE003, lr  }
0x1b: {  	s9 =	sadd.s32 $0xFFFFFEF7, lr;
	s5 =	simm.s32 $0xFFFFFFFF;
	p2 =	slt.u32 s8, $0xFFFFF086  }
0x1c: {  	p1 =	slt.u32 s9, $0xF7A;
	s5 =	simm.s32 @!p2 $0x0  }
0x1d: {  	s5 =	simm.s32 @p1 $0x1;
	p0 =	seq.s32 s7, s2  }
0x1e: {  	s7 =	smul.u32 @!p0 $0xF7A, s2;
	p2 =	seq.s32 @!p0 s5, $0x0  }
0x1f: {  	s9 =	smul.u32 $0xF7A, s1;
	s8 =	simm.s32 @!p0 $0x1BF5;
	p2 =	por !p2, p0  }
0x20: {  	[sflag:s8] =	ssyncset.s32 @!p0 $0xFFFFF086;
	s6 =	sadd.s32 @!p0 s3, s7;
	s7 =	simm.s32 @!p0 $0x108  }
0x21: {  	s3 =	sadd.s32 s3, s9;
	s6 =	sadd.s32 @!p0 $0x88, s6;
	s7 =	simm.s32 @p2 $0x1082  }
0x22: {  	[simem:s7], [sflag:s8] =	dma.local @!p0 [hbm:s6], $0xF7A  }
0x23: {  	s9 =	sor.u32 $0xD0000000, s2;
	s6 =	simm.s32 $0x108;
	_ =	swait.ge @!p0 [sflag:s8], $0x0  }
0x24: {  	s3 =	sadd.s32 $0x88, s3;
	s6 =	simm.s32 @!p1 $0x1082;
	[sflag:s4] =	ssyncset.s32 $0xFFFFF086  }
0x25: {  	[simem:s6], [sflag:s4] =	dma.local [hbm:s3], $0xF7A  }
0x26: {  	[smem:$0x3F92] =	sst s1;
	(tag) =	ssettag s2;
	_ =	strace s9  }
0x27: {  	s1 =	sld [smem:$0x3FA2]  }
0x28: {  	s2 =	sld [smem:$0x3FA3]  }
0x29: {  	s4 =	sld [smem:$0x3FA5]  }
0x2a: {  	p0 =	seq.s32 s5, $0x0;
	s5 =	sld [smem:$0x3FA6]  }
0x2b: {  	s6 =	sld [smem:$0x3FA7]  }
0x2c: {  	s7 =	sld [smem:$0x3FA8]  }
0x2d: {  	s3 =	simm.s32 $0x108;
	s8 =	sld [smem:$0x3FA9]  }
0x2e: {  	s3 =	simm.s32 @!p0 $0x1082;
	s9 =	sld [smem:$0x3FAA]  }
0x2f: {  	lr =	sadd.s32 s0, s3;
	s0 =	sld [smem:$0x3FA1]  }
0x30: {  	s3 =	sld [smem:$0x3FA4]  }
0x31: {  	[smem:$0x3FAD] =	sst s10  }
0x32: {  	s10 =	sld [smem:$0x3FAB];
	_ =	sdelay $0x3  }
0x33: {  	p0 =	seq.s32 s10, $0x1;
	s10 =	sld [smem:$0x3FAD];
	_ =	sdelay $0x3  }
0x34: {  	[smem:$0x3FAD] =	sst s10  }
0x35: {  	s10 =	sld [smem:$0x3FAC];
	_ =	sdelay $0x3  }
0x36: {  	p1 =	seq.s32 s10, $0x1;
	s10 =	sld [smem:$0x3FAD];
	_ =	sdelay $0x3  }
0x37: {  	[smem:$0x3FAD] =	sst s10  }
0x38: {  	s10 =	sld [smem:$0x3FAE]  }
0x39: {  	_ = 	snop;
	(pc) =	sbr.ind lr, $3  }
0x3a: {  	_ = 	snop  }
0x3b: {  	_ = 	snop  }
0x3c: {  	p2 =	seq.s32 s10, $0x1;
	s10 =	sld [smem:$0x3FAD]  }
0x3d: {  	_ =	shalt  }
0x3e: {  	_ =	shalt  }
0x3f: {  	_ =	shalt  }
0x40: {  	_ =	shalt  }
0x41: {  	_ =	shalt  }
0x42: {  	_ =	shalt  }
0x43: {  	_ =	shalt  }
0x44: {  	_ =	shalt  }
0x45: {  	_ =	shalt  }
0x46: {  	_ =	shalt  }
0x47: {  	_ =	shalt  }
0x48: {  	_ =	shalt  }
0x49: {  	_ =	shalt  }
0x4a: {  	_ =	shalt  }
0x4b: {  	_ =	shalt  }
0x4c: {  	_ =	shalt  }
0x4d: {  	_ =	shalt  }
0x4e: {  	_ =	shalt  }
0x4f: {  	_ =	shalt  }
0x50: {  	_ =	shalt  }
0x51: {  	_ =	shalt  }
0x52: {  	_ =	shalt  }
0x53: {  	_ =	shalt  }
0x54: {  	_ =	shalt  }
0x55: {  	_ =	shalt  }
0x56: {  	_ =	shalt  }
0x57: {  	_ =	shalt  }
0x58: {  	_ =	shalt  }
0x59: {  	_ =	shalt  }
0x5a: {  	_ =	shalt  }
0x5b: {  	_ =	shalt  }
0x5c: {  	_ =	shalt  }
0x5d: {  	_ =	shalt  }
0x5e: {  	_ =	shalt  }
0x5f: {  	_ =	shalt  }
0x60: {  	_ =	shalt  }
0x61: {  	_ =	shalt  }
0x62: {  	_ =	shalt  }
0x63: {  	_ =	shalt  }
0x64: {  	_ =	shalt  }
0x65: {  	_ =	shalt  }
0x66: {  	_ =	shalt  }
0x67: {  	_ =	shalt  }
0x68: {  	_ =	shalt  }
0x69: {  	_ =	shalt  }
0x6a: {  	_ =	shalt  }
0x6b: {  	_ =	shalt  }
0x6c: {  	_ =	shalt  }
0x6d: {  	_ =	shalt  }
0x6e: {  	_ =	shalt  }
0x6f: {  	_ =	shalt  }
0x70: {  	_ =	shalt  }
0x71: {  	_ =	shalt  }
0x72: {  	_ =	shalt  }
0x73: {  	_ =	shalt  }
0x74: {  	_ =	shalt  }
0x75: {  	_ =	shalt  }
0x76: {  	_ =	shalt  }
0x77: {  	_ =	shalt  }
0x78: {  	_ =	shalt  }
0x79: {  	_ =	shalt  }
0x7a: {  	_ =	shalt  }
0x7b: {  	_ =	shalt  }
0x7c: {  	_ =	shalt  }
0x7d: {  	_ =	shalt  }
0x7e: {  	_ =	shalt  }
0x7f: {  	_ =	shalt  }
0x80: {  	_ =	shalt  }
0x81: {  	_ =	shalt  }
0x82: {  	_ =	shalt  }
0x83: {  	_ =	shalt  }
0x84: {  	_ =	shalt  }
0x85: {  	_ =	shalt  }
0x86: {  	_ =	shalt  }
0x87: {  	_ =	shalt  }
.Lfunc_end0:
.L_simem_size_0:
called_computation.1_lowered:
.L_overlay_start_0:
0x88: {  	s2 =	sld [smem:$0x3FD9]  }
0x89: {  	s3 =	sld [smem:$0x3FFE];
	_ =	sdelay $0x1  }
0x8a: {  	s1 =	srdreg.scid  }
0x8b: {  	s0 =	sand.u32 $0x1, s1  }
0x8c: {  	s17 =	sshll.u32 s0, $0xA;
	s2 =	sadd.s32 s3, s2  }
0x8d: {  	s2 =	sadd.s32 s2, s17  }
0x8e: {  	[smem:$0x3FB9] =	sst s2  }
0x8f: {  	_ = 	snop  }
0x90: {  	s2 =	sld [smem:$0x3FD0];
	(tm) =	ssettm $0x1  }
0x91: {  	s18 =	sld [smem:$0x3FFB];
	_ =	sdelay $0x3  }
0x92: {  	_ =	strace s18  }
0x93: {  	s3 =	sld [smem:$0x3FFC];
	_ =	sdelay $0x3  }
0x94: {  	_ =	strace s3  }
0x95: {  	s3 =	sld [smem:$0x3FFD];
	_ =	sdelay $0x3  }
0x96: {  	_ =	strace s3  }
0x97: {  	_ =	strace $0x8FFFFFFF  }
0x98: {  	s19 =	sld [smem:$0x3FDB];
	_ =	sdelay $0x1  }
0x99: {  	s4 =	simm.s32 $_scs_section_size  }
0x9a: {  	s5 =	simm.s32 $_size__tile_overlayer_lowered;
	s6 =	simm.s32 $_tile_overlayer_lowered  }
0x9b: {  	s22 =	simm.s32 $0x1BFF;
	s21 =	sshll.u32 s6, $0x1;
	s3 =	sadd.s32 s4, s19  }
0x9c: {  	s7 =	simm.s32 $0x0;
	s20 =	sshll.u32 s5, $0x1;
	s5 =	sadd.s32 s21, s3  }
0x9d: {  	[timem:s7], [sflag:s22] =	dma.local [hbm:s5], s20  }
0x9e: {  	_ =	swait.ge [sflag:s22], s20  }
0x9f: {  	s4 =	ssub.s32 $0x0, s20;
	[sflag:s22] =	ssyncset.done $0x0  }
0xa0: {  	[sflag:s22] =	ssyncadd.s32 s4;
	_ =	sdelay $0x1  }
0xa1: {  	s23 =	simm.s32 $0x1B8B  }
0xa2: {  	_ =	swait.ge [sflag:s23], $0x1  }
0xa3: {  	[sflag:s23] =	ssyncset.done $0x0  }
0xa4: {  	s25 =	simm.s32 $0x1B8E;
	s24 =	sld [smem:$0x3FFE];
	[sflag:s23] =	ssyncadd.s32 $0xFFFFFFFF  }
0xa5: {  	s26 =	simm.s32 $execute0_lowered;
	[smem:$0x3FD2] =	sst s25  }
0xa6: {  	s5 =	sshll.u32 s26, $0x1;
	_ =	strace $0x80000049;
	[dreg:$0x1] =	wrdreg $0xFFFFFFFF  }
0xa7: {  	s28 =	simm.s32 $_size_execute0_lowered;
	s3 =	sadd.s32 s3, s5;
	[dreg:$0x0] =	wrdreg $0x0  }
0xa8: {  	s5 =	sshll.u32 s28, $0x1;
	[dreg:$0x2] =	wrdreg s3  }
0xa9: {  	[dreg:$0x3] =	wrdreg s5  }
0xaa: {  	[dreg:$0x4] =	wrdreg $0xC0  }
0xab: {  	_ =	task [dreg:s7], $0x5FFFF  }
0xac: {  	[dreg:$0x1] =	wrdreg $0xFFFFFFFF  }
0xad: {  	[dreg:$0x0] =	wrdreg $0x60  }
0xae: {  	[dreg:$0x2] =	wrdreg s24  }
0xaf: {  	[dreg:$0x3] =	wrdreg s2  }
0xb0: {  	[dreg:$0x4] =	wrdreg $0x41000  }
0xb1: {  	[dreg:$0x5] =	wrdreg $0x9  }
0xb2: {  	_ =	task.clear_ibuf [dreg:s7], $0x6FFFF;
	_ =	strace $0x90000049  }
0xb3: {  	s29 =	simm.s32 $0x9;
	_ =	strace $0x8000004B  }
0xb4: {  	_ =	swait.ge [sflag:s29], $0x1  }
0xb5: {  	[sflag:s29] =	ssyncadd.s32 $0xFFFFFFFF  }
0xb6: {  	_ =	strace $0x9000004B  }
0xb7: {  	_ =	sfence  }
0xb8: {  	s30 =	sld [smem:$0x0];
	_ =	sdelay $0x2  }
0xb9: {  	s31 =	sshll.u32 s1, $0xD;
	s1 =	sshrl.u32 s1, $0x2  }
0xba: {  	s3 =	sand.u32 $0x4000, s31;
	s1 =	sadd.s32 s1, s30  }
0xbb: {  	s0 =	sor.u32 s3, s0;
	s1 =	sshll.u32 s1, $0x11  }
0xbc: {  	s0 =	sor.u32 s1, s0  }
0xbd: {  	s0 =	sadd.s32 $0x8F2B, s0  }
0xbe: {  	[sflag:s0] =	ssyncadd.remote.s32 $0x1  }
0xbf: {  	_ =	sfence.sel $0xFFFF  }
0xc0: {  	[dreg:$0x0] =	wrdreg $0xFFFFFFFF;
	(pc) =	sbr.abs _section_cstart, $3  }
0xc1: {  	[dreg:$0x1] =	wrdreg $0xFFFFFFFF  }
0xc2: {  	_ =	task.clear_ibuf [dreg:s7], $0x2FFFF;
	_ =	strace $0x9FFFFFFF  }
0xc3: {  	(tm) =	ssettm $0x7FFFFFFF  }
tec
execute0_lowered:
.L_overlay_start_1:
0x0: {  	(tag) =	ssettag $0x1  }
0x1: {  	s5 =	rddreg [dreg:$0x0]  }
0x2: {  	s8 =	rddreg [dreg:$0x1]  }
0x3: {  	s2 =	rddreg [dreg:$0x2]  }
0x4: {  	s0 =	stileid.u32;
	s3 =	srdreg.scid  }
0x5: {  	s1 =	rddreg [dreg:$0x3];
	s4 =	smul.u32 $0x278, s0  }
0x6: {  	s16 =	simm.s32 $0x0;
	s7 =	sand.u32 $0x1, s3;
	s10 =	smul.u32 $0x9D0, s0  }
0x7: {  	s3 =	simm.s32 $0x0;
	s30 =	sshll.u32 s0, $0x6;
	s13 =	smul.u32 $0x13A0, s0  }
0x8: {  	s6 =	smul.u32 $0x138800, s7;
	[smem:$0x7FF] =	sst s3;
	s11 =	ssub.s32 $0x2, s7  }
0x9: {  	s15 =	sshll.u32 s7, $0x4;
	s4 =	smin.u32 s4, $0x2498;
	_ =	strace $0x8000004A  }
0xa: {  	s10 =	sadd.s32 s10, s5;
	s29 =	sshrl.u32 s11, $0x1;
	s31 =	sadd.s32 s13, s8  }
0xb: {  	s13 =	simm.s32 $0x80;
	s9 =	sshll.u32 s4, $0x7;
	s4 =	sadd.s32 $0xE600, s5  }
0xc: {  	s11 =	ssub.s32 s11, s29;
	s6 =	sadd.s32 s6, s9;
	s14 =	sadd.s32 s9, s2  }
0xd: {  	s8 =	smax.u32 s11, $0x1;
	s9 =	sadd.s32 $0x4800, s10;
	s10 =	sadd.s32 s15, s31  }
0xe: {  	s15 =	simm.s32 $0x1;
	s6 =	sshrl.u32 s6, $0x3;
	s11 =	sshrl.u32 s14, $0x3  }
0xf: {  	s14 =	simm.s32 $0x100;
	s12 =	sadd.s32 s6, s5;
	s6 =	sor.u32 $0x1C02, s30  }
0x10: {  	s5 =	sadd.s32 $0x5C800, s12;
	s7 =	sadd.s32 $0xAAA00, s12;
	s12 =	simm.s32 $0x2  }
.LBB2_1:
0x11: {  	[spmem:s11], [sflag:s6] =	dma.local [hbm:s5], $0x2780  }
0x12: {  	_ =	swait.ge [sflag:s12], $0x2780  }
0x13: {  	[sflag:s12] =	ssyncset.done $0x0  }
0x14: {  	[sflag:s12] =	ssyncadd.s32 $0xFFFFD880  }
0x15: {  	[bflag:$0x0] =	sbarrier.arrive $0xFFFF  }
0x16: {  	[tilespmem:s3], [sflag:$0x2] =	stream.linear.gather [hbm4b:s10+s3], $0x80, $0x38;
	[tilespmem:$0x179C0] =	vst v63  }
0x17: {  	_ =	swait.ge [sflag:s12], $0x80  }
0x18: {  	[sflag:s12] =	ssyncset.done $0x0  }
0x19: {  	s17 =	sadd.s32 $0x0, s9;
	[sflag:s12] =	ssyncadd.s32 $0xFFFFFF80  }
0x1a: {  	[tilespmem:s13], [sflag:$0x2] =	stream.linear.gather [hbm4b:s17+s3], $0x80, $0x38;
	[tilespmem:$0x179C0] =	vst v63  }
0x1b: {  	_ =	swait.ge [sflag:s12], $0x80  }
0x1c: {  	[sflag:s12] =	ssyncset.done $0x0  }
0x1d: {  	[sflag:s12] =	ssyncadd.s32 $0xFFFFFF80  }
0x1e: {  	[tilespmem:s14], [sflag:$0x1] =	stream.indirect.gather [hbm4b:s4+s13], $0x80, s3, s13, $0xb8;
	[tilespmem:$0x179C0] =	vst v63  }
0x1f: {  	_ =	swait.ge [sflag:s15], $0x4000  }
0x20: {  	[sflag:s15] =	ssyncset.done $0x0  }
0x21: {  	[sflag:s15] =	ssyncadd.s32 $0xFFFFC000  }
0x22: {  	[spmem:s2] =	stream.indirect.scatter.add.f32 [tilespmem:s14], [sflag:$0x2], $0x80, s13, s13, $0xb8;
	[tilespmem:$0x179C0] =	vst v63  }
0x23: {  	_ =	swait.ge [sflag:s12], $0x4000  }
0x24: {  	s18 =	smov.u32 s10;
	s17 =	simm.s32 $0x10;
	[sflag:s12] =	ssyncset.done $0x0  }
.LBB2_2:
0x25: {  	p0 =	sne.s32 s17, $0x9C0;
	[sflag:s12] =	ssyncadd.s32 $0xFFFFC000;
	s18 =	sadd.s32 $0x20, s18  }
0x26: {  	[tilespmem:s3], [sflag:$0x2] =	stream.linear.gather [hbm4b:s18+s3], $0x80, $0x38;
	[tilespmem:$0x179C0] =	vst v63  }
0x27: {  	s19 =	smov.u32 s17;
	s17 =	sadd.s32 $0x10, s17;
	_ =	swait.ge [sflag:s12], $0x80  }
0x28: {  	[sflag:s12] =	ssyncset.done $0x0  }
0x29: {  	s19 =	sadd.s32 s19, s9;
	[sflag:s12] =	ssyncadd.s32 $0xFFFFFF80  }
0x2a: {  	[tilespmem:s13], [sflag:$0x2] =	stream.linear.gather [hbm4b:s19+s3], $0x80, $0x38;
	[tilespmem:$0x179C0] =	vst v63  }
0x2b: {  	_ =	swait.ge [sflag:s12], $0x80  }
0x2c: {  	[sflag:s12] =	ssyncset.done $0x0  }
0x2d: {  	[sflag:s12] =	ssyncadd.s32 $0xFFFFFF80  }
0x2e: {  	[tilespmem:s14], [sflag:$0x1] =	stream.indirect.gather [hbm4b:s4+s13], $0x80, s3, s13, $0xb8;
	[tilespmem:$0x179C0] =	vst v63  }
0x2f: {  	_ =	swait.ge [sflag:s15], $0x4000  }
.Ltmp0:
0x30: {  	[sflag:s15] =	ssyncset.done $0x0;
	(pc) =	sbr.rel @p0 .LBB2_2-.Ltmp0, $4  }
0x31: {  	[sflag:s15] =	ssyncadd.s32 $0xFFFFC000  }
0x32: {  	[spmem:s2] =	stream.indirect.scatter.add.f32 [tilespmem:s14], [sflag:$0x2], $0x80, s13, s13, $0xb8;
	[tilespmem:$0x179C0] =	vst v63  }
0x33: {  	_ =	swait.ge [sflag:s12], $0x4000  }
0x34: {  	[sflag:s12] =	ssyncset.done $0x0  }
0x35: {  	s16 =	sadd.s32 $0x1, s16  }
0x36: {  	[sflag:s12] =	ssyncadd.s32 $0xFFFFC000;
	p0 =	sne.s32 s16, s8  }
.Ltmp1:
0x37: {  	[bflag:$0x0] =	sbarrier.arrive $0xFFFF;
	(pc) =	sbr.rel @p0 .LBB2_1-.Ltmp1, $4  }
0x38: {  	[hbm:s7], [sflag:s6] =	dma.local [spmem:s11], $0x2780  }
0x39: {  	_ =	swait.ge [sflag:s12], $0x2780  }
0x3a: {  	[sflag:s12] =	ssyncset.done $0x0  }
0x3b: {  	[sflag:s12] =	ssyncadd.s32 $0xFFFFD880  }
0x3c: {  	_ =	sfence.sel $0x180000  }
0x3d: {  	[bflag:$0x0] =	sbarrier.arrive $0xFFFF  }
0x3e: {  	p0 =	sne.s32 s0, $0x0;
	_ =	strace $0x9000004A  }
0x3f: {  	s0 =	sadd.s32 @!p0 $0x100000, s1;
	[bflag:$0x2] =	sbarrier.arrive $0xFFFF  }
0x40: {  	[sflag:s0] =	ssyncadd.tile.s32 @!p0 $0x1;
	_ =	shalt  }
.Lfunc_end2:
_tile_overlayer_lowered:
.L_overlay_start_2:
0x41: {  	(tag) =	ssettag $0x2  }
0x42: {  	s0 =	rddreg [dreg:$0x0];
	s2 =	stileid.u32  }
0x43: {  	s1 =	rddreg [dreg:$0x1];
	p0 =	sne.s32 s2, $0x0  }
0x44: {  	s3 =	rddreg [dreg:$0x2];
	[bflag:$0x3] =	sbarrier.arrive $0xFFFF;
	s2 =	simm.s32 @!p0 $0x1C02  }
0x45: {  	[timem:s3], [sflag:s2] =	dma.local @!p0 [hbm:s0], s1  }
0x46: {  	s0 =	simm.s32 @!p0 $0x2  }
0x47: {  	_ =	swait.ge @!p0 [sflag:s0], s1  }
0x48: {  	s1 =	ssub.s32 @!p0 $0x0, s1;
	[sflag:s0] =	ssyncset.done @!p0 $0x0  }
0x49: {  	[sflag:s0] =	ssyncadd.s32 @!p0 s1  }
0x4a: {  	[bflag:$0x3] =	sbarrier.arrive $0xFFFF  }
0x4b: {  	_ =	shalt  }

// kernel: kernel.15.cloned.1.call-start
scs
__scs_entry_jumppad:
0x0: {  	(pc) =	sbr.rel $0x88, $3  }
0x1: {  	(tag) =	ssettag $0x0;
	lr =	simm.s32 $0x1  }
0x2: {  	[smem:$0x3F92] =	sst lr;
	_ =	strace $0xD0000000  }
0x3: {  	_ = 	snop  }
0x4: {  	_ = 	snop  }
0x5: {  	_ = 	snop  }
0x6: {  	_ = 	snop  }
0x7: {  	_ = 	snop  }
__scs_overlays_trampoline_lowered:
0x8: {  	[smem:$0x3FA1] =	sst s0  }
0x9: {  	[smem:$0x3FA2] =	sst s1  }
0xa: {  	[smem:$0x3FA3] =	sst s2  }
0xb: {  	[smem:$0x3FA4] =	sst s3  }
0xc: {  	[smem:$0x3FA5] =	sst s4  }
0xd: {  	[smem:$0x3FA6] =	sst s5  }
0xe: {  	[smem:$0x3FA7] =	sst s6  }
0xf: {  	[smem:$0x3FA8] =	sst s7  }
0x10: {  	[smem:$0x3FA9] =	sst s8  }
0x11: {  	[smem:$0x3FAA] =	sst s9;
	s0 =	simm.s32 @!p0 $0x0  }
0x12: {  	s1 =	sld [smem:$0x3F90];
	s0 =	simm.s32 @p0 $0x1  }
0x13: {  	[smem:$0x3FAB] =	sst s0;
	s0 =	simm.s32 @!p1 $0x0  }
0x14: {  	s2 =	sld [smem:$0x3F8F];
	s0 =	simm.s32 @p1 $0x1  }
0x15: {  	[smem:$0x3FAC] =	sst s0;
	s0 =	simm.s32 @!p2 $0x0  }
0x16: {  	s3 =	sld [smem:$0x3FDB];
	s0 =	simm.s32 @p2 $0x1  }
0x17: {  	s4 =	simm.s32 $0x1BF5;
	[smem:$0x3FAE] =	sst s0  }
0x18: {  	s0 =	sld [smem:$0x3F91];
	_ =	swait.ge [sflag:s4], $0x0  }
0x19: {  	s7 =	sld [smem:$0x3F92]  }
0x1a: {  	s8 =	sadd.s32 $0xFFFFE003, lr  }
0x1b: {  	s9 =	sadd.s32 $0xFFFFFEF7, lr;
	s5 =	simm.s32 $0xFFFFFFFF;
	p2 =	slt.u32 s8, $0xFFFFF086  }
0x1c: {  	p1 =	slt.u32 s9, $0xF7A;
	s5 =	simm.s32 @!p2 $0x0  }
0x1d: {  	s5 =	simm.s32 @p1 $0x1;
	p0 =	seq.s32 s7, s2  }
0x1e: {  	s7 =	smul.u32 @!p0 $0xF7A, s2;
	p2 =	seq.s32 @!p0 s5, $0x0  }
0x1f: {  	s9 =	smul.u32 $0xF7A, s1;
	s8 =	simm.s32 @!p0 $0x1BF5;
	p2 =	por !p2, p0  }
0x20: {  	[sflag:s8] =	ssyncset.s32 @!p0 $0xFFFFF086;
	s6 =	sadd.s32 @!p0 s3, s7;
	s7 =	simm.s32 @!p0 $0x108  }
0x21: {  	s3 =	sadd.s32 s3, s9;
	s6 =	sadd.s32 @!p0 $0x88, s6;
	s7 =	simm.s32 @p2 $0x1082  }
0x22: {  	[simem:s7], [sflag:s8] =	dma.local @!p0 [hbm:s6], $0xF7A  }
0x23: {  	s9 =	sor.u32 $0xD0000000, s2;
	s6 =	simm.s32 $0x108;
	_ =	swait.ge @!p0 [sflag:s8], $0x0  }
0x24: {  	s3 =	sadd.s32 $0x88, s3;
	s6 =	simm.s32 @!p1 $0x1082;
	[sflag:s4] =	ssyncset.s32 $0xFFFFF086  }
0x25: {  	[simem:s6], [sflag:s4] =	dma.local [hbm:s3], $0xF7A  }
0x26: {  	[smem:$0x3F92] =	sst s1;
	(tag) =	ssettag s2;
	_ =	strace s9  }
0x27: {  	s1 =	sld [smem:$0x3FA2]  }
0x28: {  	s2 =	sld [smem:$0x3FA3]  }
0x29: {  	s4 =	sld [smem:$0x3FA5]  }
0x2a: {  	p0 =	seq.s32 s5, $0x0;
	s5 =	sld [smem:$0x3FA6]  }
0x2b: {  	s6 =	sld [smem:$0x3FA7]  }
0x2c: {  	s7 =	sld [smem:$0x3FA8]  }
0x2d: {  	s3 =	simm.s32 $0x108;
	s8 =	sld [smem:$0x3FA9]  }
0x2e: {  	s3 =	simm.s32 @!p0 $0x1082;
	s9 =	sld [smem:$0x3FAA]  }
0x2f: {  	lr =	sadd.s32 s0, s3;
	s0 =	sld [smem:$0x3FA1]  }
0x30: {  	s3 =	sld [smem:$0x3FA4]  }
0x31: {  	[smem:$0x3FAD] =	sst s10  }
0x32: {  	s10 =	sld [smem:$0x3FAB];
	_ =	sdelay $0x3  }
0x33: {  	p0 =	seq.s32 s10, $0x1;
	s10 =	sld [smem:$0x3FAD];
	_ =	sdelay $0x3  }
0x34: {  	[smem:$0x3FAD] =	sst s10  }
0x35: {  	s10 =	sld [smem:$0x3FAC];
	_ =	sdelay $0x3  }
0x36: {  	p1 =	seq.s32 s10, $0x1;
	s10 =	sld [smem:$0x3FAD];
	_ =	sdelay $0x3  }
0x37: {  	[smem:$0x3FAD] =	sst s10  }
0x38: {  	s10 =	sld [smem:$0x3FAE]  }
0x39: {  	_ = 	snop;
	(pc) =	sbr.ind lr, $3  }
0x3a: {  	_ = 	snop  }
0x3b: {  	_ = 	snop  }
0x3c: {  	p2 =	seq.s32 s10, $0x1;
	s10 =	sld [smem:$0x3FAD]  }
0x3d: {  	_ =	shalt  }
0x3e: {  	_ =	shalt  }
0x3f: {  	_ =	shalt  }
0x40: {  	_ =	shalt  }
0x41: {  	_ =	shalt  }
0x42: {  	_ =	shalt  }
0x43: {  	_ =	shalt  }
0x44: {  	_ =	shalt  }
0x45: {  	_ =	shalt  }
0x46: {  	_ =	shalt  }
0x47: {  	_ =	shalt  }
0x48: {  	_ =	shalt  }
0x49: {  	_ =	shalt  }
0x4a: {  	_ =	shalt  }
0x4b: {  	_ =	shalt  }
0x4c: {  	_ =	shalt  }
0x4d: {  	_ =	shalt  }
0x4e: {  	_ =	shalt  }
0x4f: {  	_ =	shalt  }
0x50: {  	_ =	shalt  }
0x51: {  	_ =	shalt  }
0x52: {  	_ =	shalt  }
0x53: {  	_ =	shalt  }
0x54: {  	_ =	shalt  }
0x55: {  	_ =	shalt  }
0x56: {  	_ =	shalt  }
0x57: {  	_ =	shalt  }
0x58: {  	_ =	shalt  }
0x59: {  	_ =	shalt  }
0x5a: {  	_ =	shalt  }
0x5b: {  	_ =	shalt  }
0x5c: {  	_ =	shalt  }
0x5d: {  	_ =	shalt  }
0x5e: {  	_ =	shalt  }
0x5f: {  	_ =	shalt  }
0x60: {  	_ =	shalt  }
0x61: {  	_ =	shalt  }
0x62: {  	_ =	shalt  }
0x63: {  	_ =	shalt  }
0x64: {  	_ =	shalt  }
0x65: {  	_ =	shalt  }
0x66: {  	_ =	shalt  }
0x67: {  	_ =	shalt  }
0x68: {  	_ =	shalt  }
0x69: {  	_ =	shalt  }
0x6a: {  	_ =	shalt  }
0x6b: {  	_ =	shalt  }
0x6c: {  	_ =	shalt  }
0x6d: {  	_ =	shalt  }
0x6e: {  	_ =	shalt  }
0x6f: {  	_ =	shalt  }
0x70: {  	_ =	shalt  }
0x71: {  	_ =	shalt  }
0x72: {  	_ =	shalt  }
0x73: {  	_ =	shalt  }
0x74: {  	_ =	shalt  }
0x75: {  	_ =	shalt  }
0x76: {  	_ =	shalt  }
0x77: {  	_ =	shalt  }
0x78: {  	_ =	shalt  }
0x79: {  	_ =	shalt  }
0x7a: {  	_ =	shalt  }
0x7b: {  	_ =	shalt  }
0x7c: {  	_ =	shalt  }
0x7d: {  	_ =	shalt  }
0x7e: {  	_ =	shalt  }
0x7f: {  	_ =	shalt  }
0x80: {  	_ =	shalt  }
0x81: {  	_ =	shalt  }
0x82: {  	_ =	shalt  }
0x83: {  	_ =	shalt  }
0x84: {  	_ =	shalt  }
0x85: {  	_ =	shalt  }
0x86: {  	_ =	shalt  }
0x87: {  	_ =	shalt  }
.Lfunc_end0:
.L_simem_size_0:
called_computation.2_lowered:
.L_overlay_start_0:
0x88: {  	s2 =	sld [smem:$0x3FD9]  }
0x89: {  	s3 =	sld [smem:$0x3FFE];
	_ =	sdelay $0x1  }
0x8a: {  	s1 =	srdreg.scid  }
0x8b: {  	s0 =	sand.u32 $0x1, s1  }
0x8c: {  	s17 =	sshll.u32 s0, $0xA;
	s2 =	sadd.s32 s3, s2  }
0x8d: {  	s2 =	sadd.s32 s2, s17  }
0x8e: {  	[smem:$0x3FB9] =	sst s2  }
0x8f: {  	_ = 	snop  }
0x90: {  	s2 =	sld [smem:$0x3FD0];
	(tm) =	ssettm $0x1  }
0x91: {  	s18 =	sld [smem:$0x3FFB];
	_ =	sdelay $0x3  }
0x92: {  	_ =	strace s18  }
0x93: {  	s3 =	sld [smem:$0x3FFC];
	_ =	sdelay $0x3  }
0x94: {  	_ =	strace s3  }
0x95: {  	s3 =	sld [smem:$0x3FFD];
	_ =	sdelay $0x3  }
0x96: {  	_ =	strace s3  }
0x97: {  	_ =	strace $0x8FFFFFFF  }
0x98: {  	s19 =	sld [smem:$0x3FDB];
	_ =	sdelay $0x1  }
0x99: {  	s4 =	simm.s32 $_scs_section_size  }
0x9a: {  	s5 =	simm.s32 $_size__tile_overlayer_lowered;
	s6 =	simm.s32 $_tile_overlayer_lowered  }
0x9b: {  	s22 =	simm.s32 $0x1BFF;
	s21 =	sshll.u32 s6, $0x1;
	s3 =	sadd.s32 s4, s19  }
0x9c: {  	s7 =	simm.s32 $0x0;
	s20 =	sshll.u32 s5, $0x1;
	s5 =	sadd.s32 s21, s3  }
0x9d: {  	[timem:s7], [sflag:s22] =	dma.local [hbm:s5], s20  }
0x9e: {  	_ =	swait.ge [sflag:s22], s20  }
0x9f: {  	s4 =	ssub.s32 $0x0, s20;
	[sflag:s22] =	ssyncset.done $0x0  }
0xa0: {  	[sflag:s22] =	ssyncadd.s32 s4;
	_ =	sdelay $0x1  }
0xa1: {  	s23 =	simm.s32 $0x1B8B  }
0xa2: {  	_ =	swait.ge [sflag:s23], $0x1  }
0xa3: {  	[sflag:s23] =	ssyncset.done $0x0  }
0xa4: {  	s25 =	simm.s32 $0x1B8E;
	s24 =	sld [smem:$0x3FFE];
	[sflag:s23] =	ssyncadd.s32 $0xFFFFFFFF  }
0xa5: {  	s26 =	simm.s32 $execute0_lowered;
	[smem:$0x3FD2] =	sst s25  }
0xa6: {  	s5 =	sshll.u32 s26, $0x1;
	_ =	strace $0x8000004C;
	[dreg:$0x1] =	wrdreg $0xFFFFFFFF  }
0xa7: {  	s28 =	simm.s32 $_size_execute0_lowered;
	s3 =	sadd.s32 s3, s5;
	[dreg:$0x0] =	wrdreg $0x0  }
0xa8: {  	s5 =	sshll.u32 s28, $0x1;
	[dreg:$0x2] =	wrdreg s3  }
0xa9: {  	[dreg:$0x3] =	wrdreg s5  }
0xaa: {  	[dreg:$0x4] =	wrdreg $0xC0  }
0xab: {  	_ =	task [dreg:s7], $0x5FFFF  }
0xac: {  	[dreg:$0x1] =	wrdreg $0xFFFFFFFF  }
0xad: {  	[dreg:$0x0] =	wrdreg $0x60  }
0xae: {  	[dreg:$0x2] =	wrdreg s24  }
0xaf: {  	[dreg:$0x3] =	wrdreg s2  }
0xb0: {  	[dreg:$0x4] =	wrdreg $0x41000  }
0xb1: {  	[dreg:$0x5] =	wrdreg $0x9  }
0xb2: {  	_ =	task.clear_ibuf [dreg:s7], $0x6FFFF;
	_ =	strace $0x9000004C  }
0xb3: {  	s29 =	simm.s32 $0x9;
	_ =	strace $0x8000004E  }
0xb4: {  	_ =	swait.ge [sflag:s29], $0x1  }
0xb5: {  	[sflag:s29] =	ssyncadd.s32 $0xFFFFFFFF  }
0xb6: {  	_ =	strace $0x9000004E  }
0xb7: {  	_ =	sfence  }
0xb8: {  	s30 =	sld [smem:$0x0];
	_ =	sdelay $0x2  }
0xb9: {  	s31 =	sshll.u32 s1, $0xD;
	s1 =	sshrl.u32 s1, $0x2  }
0xba: {  	s3 =	sand.u32 $0x4000, s31;
	s1 =	sadd.s32 s1, s30  }
0xbb: {  	s0 =	sor.u32 s3, s0;
	s1 =	sshll.u32 s1, $0x11  }
0xbc: {  	s0 =	sor.u32 s1, s0  }
0xbd: {  	s0 =	sadd.s32 $0x8F2B, s0  }
0xbe: {  	[sflag:s0] =	ssyncadd.remote.s32 $0x1  }
0xbf: {  	_ =	sfence.sel $0xFFFF  }
0xc0: {  	[dreg:$0x0] =	wrdreg $0xFFFFFFFF;
	(pc) =	sbr.abs _section_cstart, $3  }
0xc1: {  	[dreg:$0x1] =	wrdreg $0xFFFFFFFF  }
0xc2: {  	_ =	task.clear_ibuf [dreg:s7], $0x2FFFF;
	_ =	strace $0x9FFFFFFF  }
0xc3: {  	(tm) =	ssettm $0x7FFFFFFF  }
tec
execute0_lowered:
.L_overlay_start_1:
0x0: {  	(tag) =	ssettag $0x1  }
0x1: {  	s5 =	rddreg [dreg:$0x0]  }
0x2: {  	s8 =	rddreg [dreg:$0x1]  }
0x3: {  	s2 =	rddreg [dreg:$0x2]  }
0x4: {  	s0 =	stileid.u32;
	s3 =	srdreg.scid  }
0x5: {  	s1 =	rddreg [dreg:$0x3];
	s4 =	smul.u32 $0x278, s0  }
0x6: {  	s16 =	simm.s32 $0x0;
	s7 =	sand.u32 $0x1, s3;
	s10 =	smul.u32 $0x9D0, s0  }
0x7: {  	s3 =	simm.s32 $0x0;
	s30 =	sshll.u32 s0, $0x6;
	s13 =	smul.u32 $0x13A0, s0  }
0x8: {  	s6 =	smul.u32 $0x138800, s7;
	[smem:$0x7FF] =	sst s3;
	s11 =	ssub.s32 $0x2, s7  }
0x9: {  	s15 =	sshll.u32 s7, $0x4;
	s4 =	smin.u32 s4, $0x2498;
	_ =	strace $0x8000004D  }
0xa: {  	s10 =	sadd.s32 s10, s5;
	s29 =	sshrl.u32 s11, $0x1;
	s31 =	sadd.s32 s13, s8  }
0xb: {  	s13 =	simm.s32 $0x80;
	s9 =	sshll.u32 s4, $0x7;
	s4 =	sadd.s32 $0xE600, s5  }
0xc: {  	s11 =	ssub.s32 s11, s29;
	s6 =	sadd.s32 s6, s9;
	s14 =	sadd.s32 s9, s2  }
0xd: {  	s8 =	smax.u32 s11, $0x1;
	s9 =	sadd.s32 $0x4800, s10;
	s10 =	sadd.s32 s15, s31  }
0xe: {  	s15 =	simm.s32 $0x1;
	s6 =	sshrl.u32 s6, $0x3;
	s11 =	sshrl.u32 s14, $0x3  }
0xf: {  	s14 =	simm.s32 $0x100;
	s12 =	sadd.s32 s6, s5;
	s6 =	sor.u32 $0x1C02, s30  }
0x10: {  	s5 =	sadd.s32 $0x5C800, s12;
	s7 =	sadd.s32 $0xAAA00, s12;
	s12 =	simm.s32 $0x2  }
.LBB2_1:
0x11: {  	[spmem:s11], [sflag:s6] =	dma.local [hbm:s5], $0x2780  }
0x12: {  	_ =	swait.ge [sflag:s12], $0x2780  }
0x13: {  	[sflag:s12] =	ssyncset.done $0x0  }
0x14: {  	[sflag:s12] =	ssyncadd.s32 $0xFFFFD880  }
0x15: {  	[bflag:$0x0] =	sbarrier.arrive $0xFFFF  }
0x16: {  	[tilespmem:s3], [sflag:$0x2] =	stream.linear.gather [hbm4b:s10+s3], $0x80, $0x38;
	[tilespmem:$0x179C0] =	vst v63  }
0x17: {  	_ =	swait.ge [sflag:s12], $0x80  }
0x18: {  	[sflag:s12] =	ssyncset.done $0x0  }
0x19: {  	s17 =	sadd.s32 $0x0, s9;
	[sflag:s12] =	ssyncadd.s32 $0xFFFFFF80  }
0x1a: {  	[tilespmem:s13], [sflag:$0x2] =	stream.linear.gather [hbm4b:s17+s3], $0x80, $0x38;
	[tilespmem:$0x179C0] =	vst v63  }
0x1b: {  	_ =	swait.ge [sflag:s12], $0x80  }
0x1c: {  	[sflag:s12] =	ssyncset.done $0x0  }
0x1d: {  	[sflag:s12] =	ssyncadd.s32 $0xFFFFFF80  }
0x1e: {  	[tilespmem:s14], [sflag:$0x1] =	stream.indirect.gather [hbm4b:s4+s13], $0x80, s3, s13, $0xb8;
	[tilespmem:$0x179C0] =	vst v63  }
0x1f: {  	_ =	swait.ge [sflag:s15], $0x4000  }
0x20: {  	[sflag:s15] =	ssyncset.done $0x0  }
0x21: {  	[sflag:s15] =	ssyncadd.s32 $0xFFFFC000  }
0x22: {  	[spmem:s2] =	stream.indirect.scatter.add.f32 [tilespmem:s14], [sflag:$0x2], $0x80, s13, s13, $0xb8;
	[tilespmem:$0x179C0] =	vst v63  }
0x23: {  	_ =	swait.ge [sflag:s12], $0x4000  }
0x24: {  	s18 =	smov.u32 s10;
	s17 =	simm.s32 $0x10;
	[sflag:s12] =	ssyncset.done $0x0  }
.LBB2_2:
0x25: {  	p0 =	sne.s32 s17, $0x9C0;
	[sflag:s12] =	ssyncadd.s32 $0xFFFFC000;
	s18 =	sadd.s32 $0x20, s18  }
0x26: {  	[tilespmem:s3], [sflag:$0x2] =	stream.linear.gather [hbm4b:s18+s3], $0x80, $0x38;
	[tilespmem:$0x179C0] =	vst v63  }
0x27: {  	s19 =	smov.u32 s17;
	s17 =	sadd.s32 $0x10, s17;
	_ =	swait.ge [sflag:s12], $0x80  }
0x28: {  	[sflag:s12] =	ssyncset.done $0x0  }
0x29: {  	s19 =	sadd.s32 s19, s9;
	[sflag:s12] =	ssyncadd.s32 $0xFFFFFF80  }
0x2a: {  	[tilespmem:s13], [sflag:$0x2] =	stream.linear.gather [hbm4b:s19+s3], $0x80, $0x38;
	[tilespmem:$0x179C0] =	vst v63  }
0x2b: {  	_ =	swait.ge [sflag:s12], $0x80  }
0x2c: {  	[sflag:s12] =	ssyncset.done $0x0  }
0x2d: {  	[sflag:s12] =	ssyncadd.s32 $0xFFFFFF80  }
0x2e: {  	[tilespmem:s14], [sflag:$0x1] =	stream.indirect.gather [hbm4b:s4+s13], $0x80, s3, s13, $0xb8;
	[tilespmem:$0x179C0] =	vst v63  }
0x2f: {  	_ =	swait.ge [sflag:s15], $0x4000  }
.Ltmp0:
0x30: {  	[sflag:s15] =	ssyncset.done $0x0;
	(pc) =	sbr.rel @p0 .LBB2_2-.Ltmp0, $4  }
0x31: {  	[sflag:s15] =	ssyncadd.s32 $0xFFFFC000  }
0x32: {  	[spmem:s2] =	stream.indirect.scatter.add.f32 [tilespmem:s14], [sflag:$0x2], $0x80, s13, s13, $0xb8;
	[tilespmem:$0x179C0] =	vst v63  }
0x33: {  	_ =	swait.ge [sflag:s12], $0x4000  }
0x34: {  	[sflag:s12] =	ssyncset.done $0x0  }
0x35: {  	s16 =	sadd.s32 $0x1, s16  }
0x36: {  	[sflag:s12] =	ssyncadd.s32 $0xFFFFC000;
	p0 =	sne.s32 s16, s8  }
.Ltmp1:
0x37: {  	[bflag:$0x0] =	sbarrier.arrive $0xFFFF;
	(pc) =	sbr.rel @p0 .LBB2_1-.Ltmp1, $4  }
0x38: {  	[hbm:s7], [sflag:s6] =	dma.local [spmem:s11], $0x2780  }
0x39: {  	_ =	swait.ge [sflag:s12], $0x2780  }
0x3a: {  	[sflag:s12] =	ssyncset.done $0x0  }
0x3b: {  	[sflag:s12] =	ssyncadd.s32 $0xFFFFD880  }
0x3c: {  	_ =	sfence.sel $0x180000  }
0x3d: {  	[bflag:$0x0] =	sbarrier.arrive $0xFFFF  }
0x3e: {  	p0 =	sne.s32 s0, $0x0;
	_ =	strace $0x9000004D  }
0x3f: {  	s0 =	sadd.s32 @!p0 $0x100000, s1;
	[bflag:$0x2] =	sbarrier.arrive $0xFFFF  }
0x40: {  	[sflag:s0] =	ssyncadd.tile.s32 @!p0 $0x1;
	_ =	shalt  }
.Lfunc_end2:
_tile_overlayer_lowered:
.L_overlay_start_2:
0x41: {  	(tag) =	ssettag $0x2  }
0x42: {  	s0 =	rddreg [dreg:$0x0];
	s2 =	stileid.u32  }
0x43: {  	s1 =	rddreg [dreg:$0x1];
	p0 =	sne.s32 s2, $0x0  }
0x44: {  	s3 =	rddreg [dreg:$0x2];
	[bflag:$0x3] =	sbarrier.arrive $0xFFFF;
	s2 =	simm.s32 @!p0 $0x1C02  }
0x45: {  	[timem:s3], [sflag:s2] =	dma.local @!p0 [hbm:s0], s1  }
0x46: {  	s0 =	simm.s32 @!p0 $0x2  }
0x47: {  	_ =	swait.ge @!p0 [sflag:s0], s1  }
0x48: {  	s1 =	ssub.s32 @!p0 $0x0, s1;
	[sflag:s0] =	ssyncset.done @!p0 $0x0  }
0x49: {  	[sflag:s0] =	ssyncadd.s32 @!p0 s1  }
0x4a: {  	[bflag:$0x3] =	sbarrier.arrive $0xFFFF  }
0x4b: {  	_ =	shalt  }

// kernel: kernel.9.cloned.1.call-start
scs
__scs_entry_jumppad:
0x0: {  	(pc) =	sbr.rel $0x88, $3  }
0x1: {  	(tag) =	ssettag $0x0;
	lr =	simm.s32 $0x1  }
0x2: {  	[smem:$0x3F92] =	sst lr;
	_ =	strace $0xD0000000  }
0x3: {  	_ = 	snop  }
0x4: {  	_ = 	snop  }
0x5: {  	_ = 	snop  }
0x6: {  	_ = 	snop  }
0x7: {  	_ = 	snop  }
__scs_overlays_trampoline_lowered:
0x8: {  	[smem:$0x3FA1] =	sst s0  }
0x9: {  	[smem:$0x3FA2] =	sst s1  }
0xa: {  	[smem:$0x3FA3] =	sst s2  }
0xb: {  	[smem:$0x3FA4] =	sst s3  }
0xc: {  	[smem:$0x3FA5] =	sst s4  }
0xd: {  	[smem:$0x3FA6] =	sst s5  }
0xe: {  	[smem:$0x3FA7] =	sst s6  }
0xf: {  	[smem:$0x3FA8] =	sst s7  }
0x10: {  	[smem:$0x3FA9] =	sst s8  }
0x11: {  	[smem:$0x3FAA] =	sst s9;
	s0 =	simm.s32 @!p0 $0x0  }
0x12: {  	s1 =	sld [smem:$0x3F90];
	s0 =	simm.s32 @p0 $0x1  }
0x13: {  	[smem:$0x3FAB] =	sst s0;
	s0 =	simm.s32 @!p1 $0x0  }
0x14: {  	s2 =	sld [smem:$0x3F8F];
	s0 =	simm.s32 @p1 $0x1  }
0x15: {  	[smem:$0x3FAC] =	sst s0;
	s0 =	simm.s32 @!p2 $0x0  }
0x16: {  	s3 =	sld [smem:$0x3FDB];
	s0 =	simm.s32 @p2 $0x1  }
0x17: {  	s4 =	simm.s32 $0x1BF5;
	[smem:$0x3FAE] =	sst s0  }
0x18: {  	s0 =	sld [smem:$0x3F91];
	_ =	swait.ge [sflag:s4], $0x0  }
0x19: {  	s7 =	sld [smem:$0x3F92]  }
0x1a: {  	s8 =	sadd.s32 $0xFFFFE003, lr  }
0x1b: {  	s9 =	sadd.s32 $0xFFFFFEF7, lr;
	s5 =	simm.s32 $0xFFFFFFFF;
	p2 =	slt.u32 s8, $0xFFFFF086  }
0x1c: {  	p1 =	slt.u32 s9, $0xF7A;
	s5 =	simm.s32 @!p2 $0x0  }
0x1d: {  	s5 =	simm.s32 @p1 $0x1;
	p0 =	seq.s32 s7, s2  }
0x1e: {  	s7 =	smul.u32 @!p0 $0xF7A, s2;
	p2 =	seq.s32 @!p0 s5, $0x0  }
0x1f: {  	s9 =	smul.u32 $0xF7A, s1;
	s8 =	simm.s32 @!p0 $0x1BF5;
	p2 =	por !p2, p0  }
0x20: {  	[sflag:s8] =	ssyncset.s32 @!p0 $0xFFFFF086;
	s6 =	sadd.s32 @!p0 s3, s7;
	s7 =	simm.s32 @!p0 $0x108  }
0x21: {  	s3 =	sadd.s32 s3, s9;
	s6 =	sadd.s32 @!p0 $0x88, s6;
	s7 =	simm.s32 @p2 $0x1082  }
0x22: {  	[simem:s7], [sflag:s8] =	dma.local @!p0 [hbm:s6], $0xF7A  }
0x23: {  	s9 =	sor.u32 $0xD0000000, s2;
	s6 =	simm.s32 $0x108;
	_ =	swait.ge @!p0 [sflag:s8], $0x0  }
0x24: {  	s3 =	sadd.s32 $0x88, s3;
	s6 =	simm.s32 @!p1 $0x1082;
	[sflag:s4] =	ssyncset.s32 $0xFFFFF086  }
0x25: {  	[simem:s6], [sflag:s4] =	dma.local [hbm:s3], $0xF7A  }
0x26: {  	[smem:$0x3F92] =	sst s1;
	(tag) =	ssettag s2;
	_ =	strace s9  }
0x27: {  	s1 =	sld [smem:$0x3FA2]  }
0x28: {  	s2 =	sld [smem:$0x3FA3]  }
0x29: {  	s4 =	sld [smem:$0x3FA5]  }
0x2a: {  	p0 =	seq.s32 s5, $0x0;
	s5 =	sld [smem:$0x3FA6]  }
0x2b: {  	s6 =	sld [smem:$0x3FA7]  }
0x2c: {  	s7 =	sld [smem:$0x3FA8]  }
0x2d: {  	s3 =	simm.s32 $0x108;
	s8 =	sld [smem:$0x3FA9]  }
0x2e: {  	s3 =	simm.s32 @!p0 $0x1082;
	s9 =	sld [smem:$0x3FAA]  }
0x2f: {  	lr =	sadd.s32 s0, s3;
	s0 =	sld [smem:$0x3FA1]  }
0x30: {  	s3 =	sld [smem:$0x3FA4]  }
0x31: {  	[smem:$0x3FAD] =	sst s10  }
0x32: {  	s10 =	sld [smem:$0x3FAB];
	_ =	sdelay $0x3  }
0x33: {  	p0 =	seq.s32 s10, $0x1;
	s10 =	sld [smem:$0x3FAD];
	_ =	sdelay $0x3  }
0x34: {  	[smem:$0x3FAD] =	sst s10  }
0x35: {  	s10 =	sld [smem:$0x3FAC];
	_ =	sdelay $0x3  }
0x36: {  	p1 =	seq.s32 s10, $0x1;
	s10 =	sld [smem:$0x3FAD];
	_ =	sdelay $0x3  }
0x37: {  	[smem:$0x3FAD] =	sst s10  }
0x38: {  	s10 =	sld [smem:$0x3FAE]  }
0x39: {  	_ = 	snop;
	(pc) =	sbr.ind lr, $3  }
0x3a: {  	_ = 	snop  }
0x3b: {  	_ = 	snop  }
0x3c: {  	p2 =	seq.s32 s10, $0x1;
	s10 =	sld [smem:$0x3FAD]  }
0x3d: {  	_ =	shalt  }
0x3e: {  	_ =	shalt  }
0x3f: {  	_ =	shalt  }
0x40: {  	_ =	shalt  }
0x41: {  	_ =	shalt  }
0x42: {  	_ =	shalt  }
0x43: {  	_ =	shalt  }
0x44: {  	_ =	shalt  }
0x45: {  	_ =	shalt  }
0x46: {  	_ =	shalt  }
0x47: {  	_ =	shalt  }
0x48: {  	_ =	shalt  }
0x49: {  	_ =	shalt  }
0x4a: {  	_ =	shalt  }
0x4b: {  	_ =	shalt  }
0x4c: {  	_ =	shalt  }
0x4d: {  	_ =	shalt  }
0x4e: {  	_ =	shalt  }
0x4f: {  	_ =	shalt  }
0x50: {  	_ =	shalt  }
0x51: {  	_ =	shalt  }
0x52: {  	_ =	shalt  }
0x53: {  	_ =	shalt  }
0x54: {  	_ =	shalt  }
0x55: {  	_ =	shalt  }
0x56: {  	_ =	shalt  }
0x57: {  	_ =	shalt  }
0x58: {  	_ =	shalt  }
0x59: {  	_ =	shalt  }
0x5a: {  	_ =	shalt  }
0x5b: {  	_ =	shalt  }
0x5c: {  	_ =	shalt  }
0x5d: {  	_ =	shalt  }
0x5e: {  	_ =	shalt  }
0x5f: {  	_ =	shalt  }
0x60: {  	_ =	shalt  }
0x61: {  	_ =	shalt  }
0x62: {  	_ =	shalt  }
0x63: {  	_ =	shalt  }
0x64: {  	_ =	shalt  }
0x65: {  	_ =	shalt  }
0x66: {  	_ =	shalt  }
0x67: {  	_ =	shalt  }
0x68: {  	_ =	shalt  }
0x69: {  	_ =	shalt  }
0x6a: {  	_ =	shalt  }
0x6b: {  	_ =	shalt  }
0x6c: {  	_ =	shalt  }
0x6d: {  	_ =	shalt  }
0x6e: {  	_ =	shalt  }
0x6f: {  	_ =	shalt  }
0x70: {  	_ =	shalt  }
0x71: {  	_ =	shalt  }
0x72: {  	_ =	shalt  }
0x73: {  	_ =	shalt  }
0x74: {  	_ =	shalt  }
0x75: {  	_ =	shalt  }
0x76: {  	_ =	shalt  }
0x77: {  	_ =	shalt  }
0x78: {  	_ =	shalt  }
0x79: {  	_ =	shalt  }
0x7a: {  	_ =	shalt  }
0x7b: {  	_ =	shalt  }
0x7c: {  	_ =	shalt  }
0x7d: {  	_ =	shalt  }
0x7e: {  	_ =	shalt  }
0x7f: {  	_ =	shalt  }
0x80: {  	_ =	shalt  }
0x81: {  	_ =	shalt  }
0x82: {  	_ =	shalt  }
0x83: {  	_ =	shalt  }
0x84: {  	_ =	shalt  }
0x85: {  	_ =	shalt  }
0x86: {  	_ =	shalt  }
0x87: {  	_ =	shalt  }
.Lfunc_end0:
.L_simem_size_0:
called_computation_lowered:
.L_overlay_start_0:
0x88: {  	s2 =	sld [smem:$0x3FD9]  }
0x89: {  	s3 =	sld [smem:$0x3FFE];
	_ =	sdelay $0x1  }
0x8a: {  	s1 =	srdreg.scid  }
0x8b: {  	s0 =	sand.u32 $0x1, s1  }
0x8c: {  	s17 =	sshll.u32 s0, $0xA;
	s2 =	sadd.s32 s3, s2  }
0x8d: {  	s2 =	sadd.s32 s2, s17  }
0x8e: {  	[smem:$0x3FB9] =	sst s2  }
0x8f: {  	_ = 	snop  }
0x90: {  	s2 =	sld [smem:$0x3FD0];
	(tm) =	ssettm $0x1  }
0x91: {  	s18 =	sld [smem:$0x3FFB];
	_ =	sdelay $0x3  }
0x92: {  	_ =	strace s18  }
0x93: {  	s3 =	sld [smem:$0x3FFC];
	_ =	sdelay $0x3  }
0x94: {  	_ =	strace s3  }
0x95: {  	s3 =	sld [smem:$0x3FFD];
	_ =	sdelay $0x3  }
0x96: {  	_ =	strace s3  }
0x97: {  	_ =	strace $0x8FFFFFFF  }
0x98: {  	s19 =	sld [smem:$0x3FDB];
	_ =	sdelay $0x1  }
0x99: {  	s4 =	simm.s32 $_scs_section_size  }
0x9a: {  	s5 =	simm.s32 $_size__tile_overlayer_lowered;
	s6 =	simm.s32 $_tile_overlayer_lowered  }
0x9b: {  	s22 =	simm.s32 $0x1BFF;
	s21 =	sshll.u32 s6, $0x1;
	s3 =	sadd.s32 s4, s19  }
0x9c: {  	s7 =	simm.s32 $0x0;
	s20 =	sshll.u32 s5, $0x1;
	s5 =	sadd.s32 s21, s3  }
0x9d: {  	[timem:s7], [sflag:s22] =	dma.local [hbm:s5], s20  }
0x9e: {  	_ =	swait.ge [sflag:s22], s20  }
0x9f: {  	s4 =	ssub.s32 $0x0, s20;
	[sflag:s22] =	ssyncset.done $0x0  }
0xa0: {  	[sflag:s22] =	ssyncadd.s32 s4;
	_ =	sdelay $0x1  }
0xa1: {  	s23 =	simm.s32 $0x1B8B  }
0xa2: {  	_ =	swait.ge [sflag:s23], $0x1  }
0xa3: {  	[sflag:s23] =	ssyncset.done $0x0  }
0xa4: {  	s25 =	simm.s32 $0x1B8E;
	s24 =	sld [smem:$0x3FFE];
	[sflag:s23] =	ssyncadd.s32 $0xFFFFFFFF  }
0xa5: {  	s26 =	simm.s32 $execute0_lowered;
	[smem:$0x3FD2] =	sst s25  }
0xa6: {  	s5 =	sshll.u32 s26, $0x1;
	_ =	strace $0x80000046;
	[dreg:$0x1] =	wrdreg $0xFFFFFFFF  }
0xa7: {  	s28 =	simm.s32 $_size_execute0_lowered;
	s3 =	sadd.s32 s3, s5;
	[dreg:$0x0] =	wrdreg $0x0  }
0xa8: {  	s5 =	sshll.u32 s28, $0x1;
	[dreg:$0x2] =	wrdreg s3  }
0xa9: {  	[dreg:$0x3] =	wrdreg s5  }
0xaa: {  	[dreg:$0x4] =	wrdreg $0xC0  }
0xab: {  	_ =	task [dreg:s7], $0x5FFFF  }
0xac: {  	[dreg:$0x1] =	wrdreg $0xFFFFFFFF  }
0xad: {  	[dreg:$0x0] =	wrdreg $0x60  }
0xae: {  	[dreg:$0x2] =	wrdreg s24  }
0xaf: {  	[dreg:$0x3] =	wrdreg s2  }
0xb0: {  	[dreg:$0x4] =	wrdreg $0x41000  }
0xb1: {  	[dreg:$0x5] =	wrdreg $0x9  }
0xb2: {  	_ =	task.clear_ibuf [dreg:s7], $0x6FFFF;
	_ =	strace $0x90000046  }
0xb3: {  	s29 =	simm.s32 $0x9;
	_ =	strace $0x80000048  }
0xb4: {  	_ =	swait.ge [sflag:s29], $0x1  }
0xb5: {  	[sflag:s29] =	ssyncadd.s32 $0xFFFFFFFF  }
0xb6: {  	_ =	strace $0x90000048  }
0xb7: {  	_ =	sfence  }
0xb8: {  	s30 =	sld [smem:$0x0];
	_ =	sdelay $0x2  }
0xb9: {  	s31 =	sshll.u32 s1, $0xD;
	s1 =	sshrl.u32 s1, $0x2  }
0xba: {  	s3 =	sand.u32 $0x4000, s31;
	s1 =	sadd.s32 s1, s30  }
0xbb: {  	s0 =	sor.u32 s3, s0;
	s1 =	sshll.u32 s1, $0x11  }
0xbc: {  	s0 =	sor.u32 s1, s0  }
0xbd: {  	s0 =	sadd.s32 $0x8F2B, s0  }
0xbe: {  	[sflag:s0] =	ssyncadd.remote.s32 $0x1  }
0xbf: {  	_ =	sfence.sel $0xFFFF  }
0xc0: {  	[dreg:$0x0] =	wrdreg $0xFFFFFFFF;
	(pc) =	sbr.abs _section_cstart, $3  }
0xc1: {  	[dreg:$0x1] =	wrdreg $0xFFFFFFFF  }
0xc2: {  	_ =	task.clear_ibuf [dreg:s7], $0x2FFFF;
	_ =	strace $0x9FFFFFFF  }
0xc3: {  	(tm) =	ssettm $0x7FFFFFFF  }
tec
execute0_lowered:
.L_overlay_start_1:
0x0: {  	(tag) =	ssettag $0x1  }
0x1: {  	s5 =	rddreg [dreg:$0x0]  }
0x2: {  	s8 =	rddreg [dreg:$0x1]  }
0x3: {  	s2 =	rddreg [dreg:$0x2]  }
0x4: {  	s0 =	stileid.u32;
	s3 =	srdreg.scid  }
0x5: {  	s1 =	rddreg [dreg:$0x3];
	s4 =	smul.u32 $0x278, s0  }
0x6: {  	s16 =	simm.s32 $0x0;
	s7 =	sand.u32 $0x1, s3;
	s10 =	smul.u32 $0x9D0, s0  }
0x7: {  	s3 =	simm.s32 $0x0;
	s30 =	sshll.u32 s0, $0x6;
	s13 =	smul.u32 $0x13A0, s0  }
0x8: {  	s6 =	smul.u32 $0x138800, s7;
	[smem:$0x7FF] =	sst s3;
	s11 =	ssub.s32 $0x2, s7  }
0x9: {  	s15 =	sshll.u32 s7, $0x4;
	s4 =	smin.u32 s4, $0x2498;
	_ =	strace $0x80000047  }
0xa: {  	s10 =	sadd.s32 s10, s5;
	s29 =	sshrl.u32 s11, $0x1;
	s31 =	sadd.s32 s13, s8  }
0xb: {  	s13 =	simm.s32 $0x80;
	s9 =	sshll.u32 s4, $0x7;
	s4 =	sadd.s32 $0x5C800, s5  }
0xc: {  	s11 =	ssub.s32 s11, s29;
	s6 =	sadd.s32 s6, s9;
	s14 =	sadd.s32 s9, s2  }
0xd: {  	s8 =	smax.u32 s11, $0x1;
	s9 =	sadd.s32 $0x4800, s10;
	s10 =	sadd.s32 s15, s31  }
0xe: {  	s15 =	simm.s32 $0x1;
	s6 =	sshrl.u32 s6, $0x3;
	s11 =	sshrl.u32 s14, $0x3  }
0xf: {  	s14 =	simm.s32 $0x100;
	s12 =	sadd.s32 s6, s5;
	s6 =	sor.u32 $0x1C02, s30  }
0x10: {  	s5 =	sadd.s32 $0xE600, s12;
	s7 =	sadd.s32 $0xAAA00, s12;
	s12 =	simm.s32 $0x2  }
.LBB2_1:
0x11: {  	[spmem:s11], [sflag:s6] =	dma.local [hbm:s5], $0x2780  }
0x12: {  	_ =	swait.ge [sflag:s12], $0x2780  }
0x13: {  	[sflag:s12] =	ssyncset.done $0x0  }
0x14: {  	[sflag:s12] =	ssyncadd.s32 $0xFFFFD880  }
0x15: {  	[bflag:$0x0] =	sbarrier.arrive $0xFFFF  }
0x16: {  	[tilespmem:s3], [sflag:$0x2] =	stream.linear.gather [hbm4b:s10+s3], $0x80, $0x38;
	[tilespmem:$0x179C0] =	vst v63  }
0x17: {  	_ =	swait.ge [sflag:s12], $0x80  }
0x18: {  	[sflag:s12] =	ssyncset.done $0x0  }
0x19: {  	s17 =	sadd.s32 $0x0, s9;
	[sflag:s12] =	ssyncadd.s32 $0xFFFFFF80  }
0x1a: {  	[tilespmem:s13], [sflag:$0x2] =	stream.linear.gather [hbm4b:s17+s3], $0x80, $0x38;
	[tilespmem:$0x179C0] =	vst v63  }
0x1b: {  	_ =	swait.ge [sflag:s12], $0x80  }
0x1c: {  	[sflag:s12] =	ssyncset.done $0x0  }
0x1d: {  	[sflag:s12] =	ssyncadd.s32 $0xFFFFFF80  }
0x1e: {  	[tilespmem:s14], [sflag:$0x1] =	stream.indirect.gather [hbm4b:s4+s13], $0x80, s3, s13, $0xb8;
	[tilespmem:$0x179C0] =	vst v63  }
0x1f: {  	_ =	swait.ge [sflag:s15], $0x4000  }
0x20: {  	[sflag:s15] =	ssyncset.done $0x0  }
0x21: {  	[sflag:s15] =	ssyncadd.s32 $0xFFFFC000  }
0x22: {  	[spmem:s2] =	stream.indirect.scatter.add.f32 [tilespmem:s14], [sflag:$0x2], $0x80, s13, s13, $0xb8;
	[tilespmem:$0x179C0] =	vst v63  }
0x23: {  	_ =	swait.ge [sflag:s12], $0x4000  }
0x24: {  	s18 =	smov.u32 s10;
	s17 =	simm.s32 $0x10;
	[sflag:s12] =	ssyncset.done $0x0  }
.LBB2_2:
0x25: {  	p0 =	sne.s32 s17, $0x9C0;
	[sflag:s12] =	ssyncadd.s32 $0xFFFFC000;
	s18 =	sadd.s32 $0x20, s18  }
0x26: {  	[tilespmem:s3], [sflag:$0x2] =	stream.linear.gather [hbm4b:s18+s3], $0x80, $0x38;
	[tilespmem:$0x179C0] =	vst v63  }
0x27: {  	s19 =	smov.u32 s17;
	s17 =	sadd.s32 $0x10, s17;
	_ =	swait.ge [sflag:s12], $0x80  }
0x28: {  	[sflag:s12] =	ssyncset.done $0x0  }
0x29: {  	s19 =	sadd.s32 s19, s9;
	[sflag:s12] =	ssyncadd.s32 $0xFFFFFF80  }
0x2a: {  	[tilespmem:s13], [sflag:$0x2] =	stream.linear.gather [hbm4b:s19+s3], $0x80, $0x38;
	[tilespmem:$0x179C0] =	vst v63  }
0x2b: {  	_ =	swait.ge [sflag:s12], $0x80  }
0x2c: {  	[sflag:s12] =	ssyncset.done $0x0  }
0x2d: {  	[sflag:s12] =	ssyncadd.s32 $0xFFFFFF80  }
0x2e: {  	[tilespmem:s14], [sflag:$0x1] =	stream.indirect.gather [hbm4b:s4+s13], $0x80, s3, s13, $0xb8;
	[tilespmem:$0x179C0] =	vst v63  }
0x2f: {  	_ =	swait.ge [sflag:s15], $0x4000  }
.Ltmp0:
0x30: {  	[sflag:s15] =	ssyncset.done $0x0;
	(pc) =	sbr.rel @p0 .LBB2_2-.Ltmp0, $4  }
0x31: {  	[sflag:s15] =	ssyncadd.s32 $0xFFFFC000  }
0x32: {  	[spmem:s2] =	stream.indirect.scatter.add.f32 [tilespmem:s14], [sflag:$0x2], $0x80, s13, s13, $0xb8;
	[tilespmem:$0x179C0] =	vst v63  }
0x33: {  	_ =	swait.ge [sflag:s12], $0x4000  }
0x34: {  	[sflag:s12] =	ssyncset.done $0x0  }
0x35: {  	s16 =	sadd.s32 $0x1, s16  }
0x36: {  	[sflag:s12] =	ssyncadd.s32 $0xFFFFC000;
	p0 =	sne.s32 s16, s8  }
.Ltmp1:
0x37: {  	[bflag:$0x0] =	sbarrier.arrive $0xFFFF;
	(pc) =	sbr.rel @p0 .LBB2_1-.Ltmp1, $4  }
0x38: {  	[hbm:s7], [sflag:s6] =	dma.local [spmem:s11], $0x2780  }
0x39: {  	_ =	swait.ge [sflag:s12], $0x2780  }
0x3a: {  	[sflag:s12] =	ssyncset.done $0x0  }
0x3b: {  	[sflag:s12] =	ssyncadd.s32 $0xFFFFD880  }
0x3c: {  	_ =	sfence.sel $0x180000  }
0x3d: {  	[bflag:$0x0] =	sbarrier.arrive $0xFFFF  }
0x3e: {  	p0 =	sne.s32 s0, $0x0;
	_ =	strace $0x90000047  }
0x3f: {  	s0 =	sadd.s32 @!p0 $0x100000, s1;
	[bflag:$0x2] =	sbarrier.arrive $0xFFFF  }
0x40: {  	[sflag:s0] =	ssyncadd.tile.s32 @!p0 $0x1;
	_ =	shalt  }
.Lfunc_end2:
_tile_overlayer_lowered:
.L_overlay_start_2:
0x41: {  	(tag) =	ssettag $0x2  }
0x42: {  	s0 =	rddreg [dreg:$0x0];
	s2 =	stileid.u32  }
0x43: {  	s1 =	rddreg [dreg:$0x1];
	p0 =	sne.s32 s2, $0x0  }
0x44: {  	s3 =	rddreg [dreg:$0x2];
	[bflag:$0x3] =	sbarrier.arrive $0xFFFF;
	s2 =	simm.s32 @!p0 $0x1C02  }
0x45: {  	[timem:s3], [sflag:s2] =	dma.local @!p0 [hbm:s0], s1  }
0x46: {  	s0 =	simm.s32 @!p0 $0x2  }
0x47: {  	_ =	swait.ge @!p0 [sflag:s0], s1  }
0x48: {  	s1 =	ssub.s32 @!p0 $0x0, s1;
	[sflag:s0] =	ssyncset.done @!p0 $0x0  }
0x49: {  	[sflag:s0] =	ssyncadd.s32 @!p0 s1  }
0x4a: {  	[bflag:$0x3] =	sbarrier.arrive $0xFFFF  }
0x4b: {  	_ =	shalt  }

</sc_bundles>
